<compile_context>
chip_gen: v7x
topology: tpu7x:2x2x1
jax: 0.10.2.dev20260603
libtpu: 0.0.44.dev20260713+nightly
codegen_flags: <defaults>
</compile_context>

<pallas_src>
import functools

import jax
import jax.numpy as jnp
from jax import lax
from jax.experimental import pallas as pl
from jax.experimental.pallas import tpu as pltpu
from jax.experimental.pallas import tpu_sc as plsc

EPS_ = 1e-4
B_, J_, D_, L_ = 8, 2048, 512, 4096
CHUNK = 128
NCH_ = J_ // CHUNK
BCHUNK = 512
NBC_ = L_ // BCHUNK
NW = 32
RPW_ = (B_ * L_) // NW
GCHUNK = 128
NGCG_ = RPW_ // GCHUNK


def _ema_idx_kernel(emb_ref, conf_ref, mask_ref, bnd_ref, sm_ref, idx_ref):
    f32 = jnp.float32
    dn_m = (((1,), (0,)), ((), ()))
    dn_t = (((1,), (1,)), ((), ()))
    HI = lax.Precision.HIGHEST
    DF = lax.Precision.DEFAULT

    C = CHUNK
    ri = lax.broadcasted_iota(jnp.int32, (C, C), 0)
    ci = lax.broadcasted_iota(jnp.int32, (C, C), 1)
    triu = (ri <= ci).astype(f32)
    eye = (ri == ci).astype(f32)

    conf = conf_ref[0]
    msk = mask_ref[0]
    p = jnp.clip(conf, EPS_, 1.0 - EPS_)
    valid = msk > 0.5
    la = jnp.log(jnp.where(valid, 1.0 - p, 1.0))
    bcoef = jnp.where(valid, p, 0.0)
    cum = lax.dot_general(la, triu, dn_m, precision=HI,
                          preferred_element_type=f32)
    cumt = lax.dot_general(eye, cum, dn_t, precision=HI,
                           preferred_element_type=f32)
    bt = lax.dot_general(eye, bcoef, dn_t, precision=HI,
                         preferred_element_type=f32)
    ecolt = jnp.exp(cumt)

    carry = jnp.zeros((1, D_), f32)
    for c in range(NCH_):
        m = jnp.where(ri >= ci, jnp.exp(cumt[:, c:c + 1] - cum[c:c + 1, :]),
                      0.0)
        bmat = bt[:, c:c + 1] * emb_ref[0, c * C:(c + 1) * C, :]
        sm = lax.dot_general(m, bmat, dn_m, precision=DF,
                             preferred_element_type=f32)
        sm = sm + ecolt[:, c:c + 1] * carry
        sm_ref[0, c * C:(c + 1) * C, :] = sm
        carry = sm[C - 1:C, :]

    CB = BCHUNK
    rb = lax.broadcasted_iota(jnp.int32, (CB, CB), 0)
    cbi = lax.broadcasted_iota(jnp.int32, (CB, CB), 1)
    triu_b = (rb <= cbi).astype(f32)
    r8 = lax.broadcasted_iota(jnp.int32, (NBC_, NBC_), 0)
    c8 = lax.broadcasted_iota(jnp.int32, (NBC_, NBC_), 1)
    trilx = (r8 > c8).astype(f32)

    bnd = bnd_ref[0]
    cumb = lax.dot_general(bnd, triu_b, dn_m, precision=DF,
                           preferred_element_type=f32)
    tot = cumb[:, CB - 1:CB]
    pre = lax.dot_general(trilx, tot, dn_m, precision=lax.Precision.HIGHEST,
                          preferred_element_type=f32)
    cum_all = cumb + pre
    idx = jnp.clip(cum_all - 1.0, 0.0, float(J_ - 1)).astype(jnp.int32)
    idx_ref[0] = idx + pl.program_id(0) * J_


def _ema_idx(emb, conf, msk, bnd):
    nb = emb.shape[0]
    return pl.pallas_call(
        _ema_idx_kernel,
        grid=(nb,),
        in_specs=[
            pl.BlockSpec((1, J_, D_), lambda b: (b, 0, 0)),
            pl.BlockSpec((1, NCH_, CHUNK), lambda b: (b, 0, 0)),
            pl.BlockSpec((1, NCH_, CHUNK), lambda b: (b, 0, 0)),
            pl.BlockSpec((1, NBC_, BCHUNK), lambda b: (b, 0, 0)),
        ],
        out_specs=[
            pl.BlockSpec((1, J_, D_), lambda b: (b, 0, 0)),
            pl.BlockSpec((1, NBC_, BCHUNK), lambda b: (b, 0, 0)),
        ],
        out_shape=[
            jax.ShapeDtypeStruct((nb, J_, D_), jnp.float32),
            jax.ShapeDtypeStruct((nb, NBC_, BCHUNK), jnp.int32),
        ],
    )(emb, conf, msk, bnd)


def _sc_gather(table, idx3):
    mesh = plsc.VectorSubcoreMesh(core_axis_name="c", subcore_axis_name="s")

    @functools.partial(
        pl.kernel,
        mesh=mesh,
        out_type=jax.ShapeDtypeStruct((B_ * L_, D_), jnp.float32),
        scratch_types=[
            pltpu.VMEM((NGCG_, GCHUNK), jnp.int32),
            pltpu.VMEM((GCHUNK, D_), jnp.float32),
            pltpu.SemaphoreType.DMA,
        ],
    )
    def k(table_hbm, idx_hbm, out_hbm, idx_v, rows_v, sem):
        wid = lax.axis_index("s") * 2 + lax.axis_index("c")
        base = wid * RPW_
        pltpu.sync_copy(idx_hbm.at[wid], idx_v)

        def body(c, carry):
            pltpu.async_copy(table_hbm.at[idx_v.at[c]], rows_v, sem).wait()
            pltpu.sync_copy(rows_v,
                            out_hbm.at[pl.ds(base + c * GCHUNK, GCHUNK)])
            return carry

        lax.fori_loop(0, NGCG_, body, 0)

    return k(table, idx3)


def kernel(unit_embeddings, unit_confidence, unit_mask, boundary_mask):
    conf = unit_confidence.reshape(B_, NCH_, CHUNK)
    msk = unit_mask.astype(jnp.float32).reshape(B_, NCH_, CHUNK)
    bnd = boundary_mask.astype(jnp.float32).reshape(B_, NBC_, BCHUNK)
    smoothed, idx = _ema_idx(unit_embeddings, conf, msk, bnd)
    frames = _sc_gather(smoothed.reshape(B_ * J_, D_),
                        idx.reshape(NW, NGCG_, GCHUNK))
    return frames.reshape(B_, L_, D_)

# --- scband reference (transcript-rebuilt; emitter-appended) ---
"""Pipeline reference for scband-emadechunker-70901320122646 (READ-ONLY COPY).

The authoritative reference and input builder live on the scoring server;
editing this copy changes nothing except your own understanding.
"""

import jax, jax.numpy as jnp
import numpy as np

EPS = 1e-4


def setup_inputs(seed: int = 0) -> dict:
    key = jax.random.key(seed)
    k1, k2, k3, k4 = jax.random.split(key, 4)
    B, J, D, L = 8, 2048, 512, 4096
    unit_embeddings = jax.random.normal(k1, (B, J, D), dtype=jnp.float32)
    unit_confidence = jax.random.uniform(k2, (B, J), dtype=jnp.float32)
    unit_mask = jax.random.randint(k3, (B, J), 0, 2).astype(jnp.bool_)
    boundary_mask = jax.random.randint(k4, (B, L), 0, 2).astype(jnp.bool_)
    return {
        "unit_embeddings": unit_embeddings,
        "unit_confidence": unit_confidence,
        "unit_mask": unit_mask,
        "boundary_mask": boundary_mask,
    }


def reference(unit_embeddings, unit_confidence, unit_mask, boundary_mask):
    B, J, D = unit_embeddings.shape

    # _ema: exponential moving average along the unit axis (sequential scan)
    def step(prev, inputs):
        emb_j, conf_j, mask_j = inputs  # (B, D), (B,), (B,)
        valid = mask_j[:, None]
        p = jnp.clip(conf_j[:, None], EPS, 1.0 - EPS)
        current = jnp.where(valid, emb_j, jnp.zeros_like(emb_j))
        new_val = jnp.where(valid, p * current + (1.0 - p) * prev, prev)
        return new_val, new_val

    prev0 = jnp.zeros((B, D), dtype=unit_embeddings.dtype)
    xs = (
        jnp.swapaxes(unit_embeddings, 0, 1),  # (J, B, D)
        jnp.swapaxes(unit_confidence, 0, 1),  # (J, B)
        jnp.swapaxes(unit_mask, 0, 1),        # (J, B)
    )
    _, smoothed_t = jax.lax.scan(step, prev0, xs)
    smoothed = jnp.swapaxes(smoothed_t, 0, 1)  # (B, J, D)

    # _upsample: gather smoothed units back to frame resolution
    unit_indices = jnp.cumsum(boundary_mask.astype(jnp.int32), axis=1) - 1
    unit_indices = jnp.clip(unit_indices, 0, J - 1)
    frames = jnp.take_along_axis(smoothed, unit_indices[:, :, None], axis=1)
    return frames

if __name__ == "__main__":
    import jax
    _d = setup_inputs()
    print(jax.jit(kernel)(*tuple(_d.values())))

</pallas_src>

<mosaic_0001>
#map = affine_map<(d0, d1) -> (0, 0)>
#map1 = affine_map<(d0, d1) -> (0, 0, 0)>
module attributes {stable_mosaic.version = 14 : i64} {
  func.func @k(%arg0: i32, %arg1: i32, %arg2: memref<16384x512xf32, #tpu.memory_space<hbm>>, %arg3: memref<32x8x128xi32, #tpu.memory_space<hbm>>, %arg4: memref<32768x512xf32, #tpu.memory_space<hbm>>, %arg5: memref<8x128xi32, #tpu.memory_space<vmem>>, %arg6: memref<128x512xf32, #tpu.memory_space<vmem>>, %arg7: memref<!tpu.dma_semaphore, #tpu.memory_space<semaphore_mem>>) attributes {dimension_semantics = [#tpu.dimension_semantics<core_parallel>, #tpu.dimension_semantics<subcore_parallel>], iteration_bounds = array<i64: 2, 16>, scalar_prefetch = 0 : i64, scratch_operands = 3 : i64, tpu.core_type = #tpu.core_type<sc_vector_subcore>, window_params = [{transform_indices = #map}, {transform_indices = #map1}, {transform_indices = #map}]} {
    %mul3A = arith.constant 2 : i32
    %mul3A_0 = arith.muli %arg1, %mul3A : i32
    %add3A = arith.addi %mul3A_0, %arg0 : i32
    %mul3A_1 = arith.constant 1024 : i32
    %mul3A_2 = arith.muli %add3A, %mul3A_1 : i32
    "tpu.region"() ({
      %run_scoped3A = tpu.sem_alloc : memref<!tpu.dma_semaphore, #tpu.memory_space<semaphore_mem>>
      %dma_start3A = arith.constant 0 : i32
      %dma_start3A_8 = arith.constant 0 : i32
      %dma_start3A_9 = tpu.memref_slice %arg3[%add3A, %dma_start3A, %dma_start3A_8] : memref<32x8x128xi32, #tpu.memory_space<hbm>> -> memref<1x8x128xi32, #tpu.memory_space<hbm>>
      %dma_start3A_10 = tpu.memref_squeeze %dma_start3A_9 : memref<1x8x128xi32, #tpu.memory_space<hbm>> -> memref<8x128xi32, #tpu.memory_space<hbm>>
      %dma_start3A_11 = arith.constant 0 : i32
      %dma_start3A_12 = arith.constant 0 : i32
      %dma_start3A_13 = tpu.memref_slice %arg3[%add3A, %dma_start3A_11, %dma_start3A_12] : memref<32x8x128xi32, #tpu.memory_space<hbm>> -> memref<1x8x128xi32, #tpu.memory_space<hbm>>
      %dma_start3A_14 = tpu.memref_squeeze %dma_start3A_13 : memref<1x8x128xi32, #tpu.memory_space<hbm>> -> memref<8x128xi32, #tpu.memory_space<hbm>>
      tpu.enqueue_dma source(%dma_start3A_14 : memref<8x128xi32, #tpu.memory_space<hbm>>) target(%arg5 : memref<8x128xi32, #tpu.memory_space<vmem>>) target_semaphore(%run_scoped3A : memref<!tpu.dma_semaphore, #tpu.memory_space<semaphore_mem>>)
      %dma_wait3A = arith.constant 0 : i32
      %dma_wait3A_15 = arith.constant 0 : i32
      %dma_wait3A_16 = tpu.memref_slice %arg3[%add3A, %dma_wait3A, %dma_wait3A_15] : memref<32x8x128xi32, #tpu.memory_space<hbm>> -> memref<1x8x128xi32, #tpu.memory_space<hbm>>
      %dma_wait3A_17 = tpu.memref_squeeze %dma_wait3A_16 : memref<1x8x128xi32, #tpu.memory_space<hbm>> -> memref<8x128xi32, #tpu.memory_space<hbm>>
      %dma_wait3A_18 = arith.constant 0 : i32
      %dma_wait3A_19 = arith.constant 0 : i32
      %dma_wait3A_20 = tpu.memref_slice %arg3[%add3A, %dma_wait3A_18, %dma_wait3A_19] : memref<32x8x128xi32, #tpu.memory_space<hbm>> -> memref<1x8x128xi32, #tpu.memory_space<hbm>>
      %dma_wait3A_21 = tpu.memref_squeeze %dma_wait3A_20 : memref<1x8x128xi32, #tpu.memory_space<hbm>> -> memref<8x128xi32, #tpu.memory_space<hbm>>
      tpu.wait_dma2 semaphore(%run_scoped3A : memref<!tpu.dma_semaphore, #tpu.memory_space<semaphore_mem>>) src(%dma_wait3A_21 : memref<8x128xi32, #tpu.memory_space<hbm>>) dst(%arg5 : memref<8x128xi32, #tpu.memory_space<vmem>>)
      tpu.yield
    }) : () -> ()
    %scan3A = arith.constant 0 : i32
    %scan3A_3 = arith.constant 0 : i32
    %scan3A_4 = arith.constant 8 : i32
    %scan3A_5 = arith.addi %scan3A_3, %scan3A_4 : i32
    %scan3A_6 = arith.constant 1 : i32
    scf.for %scan3A_8 = %scan3A_3 to %scan3A_5 step %scan3A_6  : i32 {
      %dma_start3A = arith.constant 0 : i32
      %dma_start3A_9 = tpu.memref_slice %arg5[%scan3A_8, %dma_start3A] : memref<8x128xi32, #tpu.memory_space<vmem>> -> memref<1x128xi32, #tpu.memory_space<vmem>>
      %dma_start3A_10 = tpu.memref_squeeze %dma_start3A_9 : memref<1x128xi32, #tpu.memory_space<vmem>> -> memref<128xi32, #tpu.memory_space<vmem>>
      %dma_start3A_11 = arith.constant 0 : i32
      %dma_start3A_12 = arith.constant 0 : i32
      %dma_start3A_13 = tpu.memref_slice %arg2[%dma_start3A_11, %dma_start3A_12] : memref<16384x512xf32, #tpu.memory_space<hbm>> -> memref<16384x512xf32, #tpu.memory_space<hbm>>
      tpu.enqueue_indirect_dma source(%dma_start3A_13 : memref<16384x512xf32, #tpu.memory_space<hbm>>) target(%arg6 : memref<128x512xf32, #tpu.memory_space<vmem>>) offsets(%dma_start3A_10 : memref<128xi32, #tpu.memory_space<vmem>>) semaphore(%arg7 : memref<!tpu.dma_semaphore, #tpu.memory_space<semaphore_mem>>)
      %dma_wait3A = arith.constant 0 : i32
      %dma_wait3A_14 = tpu.memref_slice %arg5[%scan3A_8, %dma_wait3A] : memref<8x128xi32, #tpu.memory_space<vmem>> -> memref<1x128xi32, #tpu.memory_space<vmem>>
      %dma_wait3A_15 = tpu.memref_squeeze %dma_wait3A_14 : memref<1x128xi32, #tpu.memory_space<vmem>> -> memref<128xi32, #tpu.memory_space<vmem>>
      %dma_wait3A_16 = arith.constant 0 : i32
      %dma_wait3A_17 = arith.constant 0 : i32
      %dma_wait3A_18 = tpu.memref_slice %arg2[%dma_wait3A_16, %dma_wait3A_17] : memref<16384x512xf32, #tpu.memory_space<hbm>> -> memref<16384x512xf32, #tpu.memory_space<hbm>>
      tpu.wait_indirect_dma semaphore(%arg7 : memref<!tpu.dma_semaphore, #tpu.memory_space<semaphore_mem>>) src(%dma_wait3A_18 : memref<16384x512xf32, #tpu.memory_space<hbm>>) dst(%arg6 : memref<128x512xf32, #tpu.memory_space<vmem>>)
      %mul3A_19 = arith.constant 128 : i32
      %mul3A_20 = arith.muli %scan3A_8, %mul3A_19 : i32
      %add3A_21 = arith.addi %mul3A_2, %mul3A_20 : i32
      "tpu.region"() ({
        %run_scoped3A = tpu.sem_alloc : memref<!tpu.dma_semaphore, #tpu.memory_space<semaphore_mem>>
        %dma_start3A_22 = arith.constant 0 : i32
        %dma_start3A_23 = tpu.memref_slice %arg4[%add3A_21, %dma_start3A_22] : memref<32768x512xf32, #tpu.memory_space<hbm>> -> memref<128x512xf32, #tpu.memory_space<hbm>>
        %dma_start3A_24 = arith.constant 0 : i32
        %dma_start3A_25 = tpu.memref_slice %arg4[%add3A_21, %dma_start3A_24] : memref<32768x512xf32, #tpu.memory_space<hbm>> -> memref<128x512xf32, #tpu.memory_space<hbm>>
        tpu.enqueue_dma source(%arg6 : memref<128x512xf32, #tpu.memory_space<vmem>>) target(%dma_start3A_25 : memref<128x512xf32, #tpu.memory_space<hbm>>) target_semaphore(%run_scoped3A : memref<!tpu.dma_semaphore, #tpu.memory_space<semaphore_mem>>)
        %dma_wait3A_26 = arith.constant 0 : i32
        %dma_wait3A_27 = tpu.memref_slice %arg4[%add3A_21, %dma_wait3A_26] : memref<32768x512xf32, #tpu.memory_space<hbm>> -> memref<128x512xf32, #tpu.memory_space<hbm>>
        %dma_wait3A_28 = arith.constant 0 : i32
        %dma_wait3A_29 = tpu.memref_slice %arg4[%add3A_21, %dma_wait3A_28] : memref<32768x512xf32, #tpu.memory_space<hbm>> -> memref<128x512xf32, #tpu.memory_space<hbm>>
        tpu.wait_dma2 semaphore(%run_scoped3A : memref<!tpu.dma_semaphore, #tpu.memory_space<semaphore_mem>>) src(%arg6 : memref<128x512xf32, #tpu.memory_space<vmem>>) dst(%dma_wait3A_29 : memref<128x512xf32, #tpu.memory_space<hbm>>)
        tpu.yield
      }) : () -> ()
    }
    %scan3A_7 = arith.constant 8 : i32
    return
  }
}

module attributes {stable_mosaic.version = 14 : i64} {
  func.func @_ema_idx_kernel(%arg0: i32, %arg1: memref<1x2048x512xf32, #tpu.memory_space<vmem>>, %arg2: memref<1x16x128xf32, #tpu.memory_space<vmem>>, %arg3: memref<1x16x128xf32, #tpu.memory_space<vmem>>, %arg4: memref<1x8x512xf32, #tpu.memory_space<vmem>>, %arg5: memref<1x2048x512xf32, #tpu.memory_space<vmem>>, %arg6: memref<1x8x512xi32, #tpu.memory_space<vmem>>) attributes {dimension_semantics = [#tpu.dimension_semantics<arbitrary>], iteration_bounds = array<i64: 8>, scalar_prefetch = 0 : i64, scratch_operands = 0 : i64, tpu.core_type = #tpu.core_type<tc>, window_params = [{transform_indices = @transform_0, window_bounds = array<i64: 1, 2048, 512>}, {transform_indices = @transform_1, window_bounds = array<i64: 1, 16, 128>}, {transform_indices = @transform_2, window_bounds = array<i64: 1, 16, 128>}, {transform_indices = @transform_3, window_bounds = array<i64: 1, 8, 512>}, {transform_indices = @transform_4, window_bounds = array<i64: 1, 2048, 512>}, {transform_indices = @transform_5, window_bounds = array<i64: 1, 8, 512>}]} {
    %iota3A = tpu.iota {dimensions = array<i32: 0>} : vector<128x128xi32>
    %iota3A_0 = tpu.iota {dimensions = array<i32: 1>} : vector<128x128xi32>
    %le3A = arith.cmpi sle, %iota3A, %iota3A_0 : vector<128x128xi32>
    %convert_element_type3A = arith.extui %le3A : vector<128x128xi1> to vector<128x128xi32>
    %convert_element_type3A_1 = arith.sitofp %convert_element_type3A : vector<128x128xi32> to vector<128x128xf32>
    %eq3A = arith.cmpi eq, %iota3A, %iota3A_0 : vector<128x128xi32>
    %convert_element_type3A_2 = arith.extui %eq3A : vector<128x128xi1> to vector<128x128xi32>
    %convert_element_type3A_3 = arith.sitofp %convert_element_type3A_2 : vector<128x128xi32> to vector<128x128xf32>
    %get3A = arith.constant 0 : index
    %get3A_4 = arith.constant 0 : index
    %get3A_5 = arith.constant 0 : index
    %get3A_6 = vector.load %arg2[%get3A, %get3A_4, %get3A_5] : memref<1x16x128xf32, #tpu.memory_space<vmem>>, vector<1x16x128xf32>
    %get3A_7 = vector.shape_cast %get3A_6 : vector<1x16x128xf32> to vector<16x128xf32>
    %get3A_8 = arith.constant 0 : index
    %get3A_9 = arith.constant 0 : index
    %get3A_10 = arith.constant 0 : index
    %get3A_11 = vector.load %arg3[%get3A_8, %get3A_9, %get3A_10] : memref<1x16x128xf32, #tpu.memory_space<vmem>>, vector<1x16x128xf32>
    %get3A_12 = vector.shape_cast %get3A_11 : vector<1x16x128xf32> to vector<16x128xf32>
    %jit3A = arith.constant 9.99999974E-5 : f32
    %jit3A_13 = arith.constant 0.999899983 : f32
    %max3A = vector.broadcast %jit3A : f32 to vector<16x128xf32>
    %max3A_14 = arith.maximumf %max3A, %get3A_7 : vector<16x128xf32>
    %min3A = vector.broadcast %jit3A_13 : f32 to vector<16x128xf32>
    %min3A_15 = arith.minimumf %min3A, %max3A_14 : vector<16x128xf32>
    %gt3A = arith.constant 5.000000e-01 : f32
    %gt3A_16 = vector.broadcast %gt3A : f32 to vector<16x128xf32>
    %gt3A_17 = arith.cmpf ogt, %get3A_12, %gt3A_16 : vector<16x128xf32>
    %sub3A = arith.constant 1.000000e+00 : f32
    %sub3A_18 = vector.broadcast %sub3A : f32 to vector<16x128xf32>
    %sub3A_19 = arith.subf %sub3A_18, %min3A_15 : vector<16x128xf32>
    %jit3A_20 = arith.constant 1.000000e+00 : f32
    %broadcast_in_dim3A = vector.broadcast %jit3A_20 : f32 to vector<16x128xf32>
    %select_n3A = arith.select %gt3A_17, %sub3A_19, %broadcast_in_dim3A : vector<16x128xi1>, vector<16x128xf32>
    %log3A = math.log %select_n3A : vector<16x128xf32>
    %jit3A_21 = arith.constant 0.000000e+00 : f32
    %broadcast_in_dim3A_22 = vector.broadcast %jit3A_21 : f32 to vector<16x128xf32>
    %select_n3A_23 = arith.select %gt3A_17, %min3A_15, %broadcast_in_dim3A_22 : vector<16x128xi1>, vector<16x128xf32>
    %dot_general3A = arith.constant dense<0.000000e+00> : vector<16x128xf32>
    %dot_general3A_24 = tpu.matmul %log3A, %convert_element_type3A_1, %dot_general3A {dimension_numbers = #tpu.dot_dimension_numbers<[1], [0], [0], [1], [0, 0, 1, 1], [], []>, precision = #tpu.contract_precision<fp32>, transpose_lhs_hint = false} : vector<16x128xf32>, vector<128x128xf32>, vector<16x128xf32> -> vector<16x128xf32>
    %dot_general3A_25 = arith.constant dense<0.000000e+00> : vector<128x16xf32>
    %dot_general3A_26 = tpu.matmul %convert_element_type3A_3, %dot_general3A_24, %dot_general3A_25 {dimension_numbers = #tpu.dot_dimension_numbers<[1], [1], [0], [0], [0, 0, 1, 0], [], []>, precision = #tpu.contract_precision<fp32>, transpose_lhs_hint = false} : vector<128x128xf32>, vector<16x128xf32>, vector<128x16xf32> -> vector<128x16xf32>
    %dot_general3A_27 = arith.constant dense<0.000000e+00> : vector<128x16xf32>
    %dot_general3A_28 = tpu.matmul %convert_element_type3A_3, %select_n3A_23, %dot_general3A_27 {dimension_numbers = #tpu.dot_dimension_numbers<[1], [1], [0], [0], [0, 0, 1, 0], [], []>, precision = #tpu.contract_precision<fp32>, transpose_lhs_hint = false} : vector<128x128xf32>, vector<16x128xf32>, vector<128x16xf32> -> vector<128x16xf32>
    %exp3A = math.exp %dot_general3A_26 : vector<128x16xf32>
    %broadcast_in_dim3A_29 = arith.constant 0.000000e+00 : f32
    %broadcast_in_dim3A_30 = vector.broadcast %broadcast_in_dim3A_29 : f32 to vector<1x512xf32>
    %ge3A = arith.cmpi sge, %iota3A, %iota3A_0 : vector<128x128xi32>
    %slice3A = vector.extract_strided_slice %dot_general3A_26 {offsets = [0, 0], sizes = [128, 1], strides = [1, 1]} : vector<128x16xf32> to vector<128x1xf32>
    %slice3A_31 = vector.extract_strided_slice %dot_general3A_24 {offsets = [0, 0], sizes = [1, 128], strides = [1, 1]} : vector<16x128xf32> to vector<1x128xf32>
    %sub3A_32 = vector.broadcast %slice3A : vector<128x1xf32> to vector<128x128xf32>
    %sub3A_33 = vector.broadcast %slice3A_31 : vector<1x128xf32> to vector<128x128xf32>
    %sub3A_34 = arith.subf %sub3A_32, %sub3A_33 : vector<128x128xf32>
    %exp3A_35 = math.exp %sub3A_34 : vector<128x128xf32>
    %jit3A_36 = arith.constant 0.000000e+00 : f32
    %broadcast_in_dim3A_37 = vector.broadcast %jit3A_36 : f32 to vector<128x128xf32>
    %select_n3A_38 = arith.select %ge3A, %exp3A_35, %broadcast_in_dim3A_37 : vector<128x128xi1>, vector<128x128xf32>
    %slice3A_39 = vector.extract_strided_slice %dot_general3A_28 {offsets = [0, 0], sizes = [128, 1], strides = [1, 1]} : vector<128x16xf32> to vector<128x1xf32>
    %get3A_40 = arith.constant 0 : index
    %get3A_41 = arith.constant 0 : index
    %get3A_42 = arith.constant 0 : index
    %get3A_43 = vector.load %arg1[%get3A_40, %get3A_41, %get3A_42] : memref<1x2048x512xf32, #tpu.memory_space<vmem>>, vector<1x128x512xf32>
    %get3A_44 = vector.shape_cast %get3A_43 : vector<1x128x512xf32> to vector<128x512xf32>
    %mul3A = vector.broadcast %slice3A_39 : vector<128x1xf32> to vector<128x512xf32>
    %mul3A_45 = arith.mulf %mul3A, %get3A_44 : vector<128x512xf32>
    %dot_general3A_46 = arith.constant dense<0.000000e+00> : vector<128x512xf32>
    %dot_general3A_47 = tpu.matmul %select_n3A_38, %mul3A_45, %dot_general3A_46 {dimension_numbers = #tpu.dot_dimension_numbers<[1], [0], [0], [1], [0, 0, 1, 1], [], []>, transpose_lhs_hint = false} : vector<128x128xf32>, vector<128x512xf32>, vector<128x512xf32> -> vector<128x512xf32>
    %slice3A_48 = vector.extract_strided_slice %exp3A {offsets = [0, 0], sizes = [128, 1], strides = [1, 1]} : vector<128x16xf32> to vector<128x1xf32>
    %mul3A_49 = vector.broadcast %slice3A_48 : vector<128x1xf32> to vector<128x512xf32>
    %mul3A_50 = vector.broadcast %broadcast_in_dim3A_30 : vector<1x512xf32> to vector<128x512xf32>
    %mul3A_51 = arith.mulf %mul3A_49, %mul3A_50 : vector<128x512xf32>
    %add3A = arith.addf %dot_general3A_47, %mul3A_51 : vector<128x512xf32>
    %swap3A = arith.constant 0 : index
    %swap3A_52 = arith.constant 0 : index
    %swap3A_53 = arith.constant 0 : index
    %swap3A_54 = vector.load %arg5[%swap3A, %swap3A_52, %swap3A_53] : memref<1x2048x512xf32, #tpu.memory_space<vmem>>, vector<1x128x512xf32>
    %swap3A_55 = vector.shape_cast %swap3A_54 : vector<1x128x512xf32> to vector<128x512xf32>
    %swap3A_56 = vector.shape_cast %add3A : vector<128x512xf32> to vector<1x128x512xf32>
    tpu.vector_store %arg5[%swap3A, %swap3A_52, %swap3A_53], %swap3A_56 {strides = array<i32>} : memref<1x2048x512xf32, #tpu.memory_space<vmem>>, vector<1x128x512xf32>,
    %slice3A_57 = vector.extract_strided_slice %add3A {offsets = [127, 0], sizes = [1, 512], strides = [1, 1]} : vector<128x512xf32> to vector<1x512xf32>
    %ge3A_58 = arith.cmpi sge, %iota3A, %iota3A_0 : vector<128x128xi32>
    %slice3A_59 = vector.extract_strided_slice %dot_general3A_26 {offsets = [0, 1], sizes = [128, 1], strides = [1, 1]} : vector<128x16xf32> to vector<128x1xf32>
    %slice3A_60 = vector.extract_strided_slice %dot_general3A_24 {offsets = [1, 0], sizes = [1, 128], strides = [1, 1]} : vector<16x128xf32> to vector<1x128xf32>
    %sub3A_61 = vector.broadcast %slice3A_59 : vector<128x1xf32> to vector<128x128xf32>
    %sub3A_62 = vector.broadcast %slice3A_60 : vector<1x128xf32> to vector<128x128xf32>
    %sub3A_63 = arith.subf %sub3A_61, %sub3A_62 : vector<128x128xf32>
    %exp3A_64 = math.exp %sub3A_63 : vector<128x128xf32>
    %jit3A_65 = arith.constant 0.000000e+00 : f32
    %broadcast_in_dim3A_66 = vector.broadcast %jit3A_65 : f32 to vector<128x128xf32>
    %select_n3A_67 = arith.select %ge3A_58, %exp3A_64, %broadcast_in_dim3A_66 : vector<128x128xi1>, vector<128x128xf32>
    %slice3A_68 = vector.extract_strided_slice %dot_general3A_28 {offsets = [0, 1], sizes = [128, 1], strides = [1, 1]} : vector<128x16xf32> to vector<128x1xf32>
    %get3A_69 = arith.constant 0 : index
    %get3A_70 = arith.constant 128 : index
    %get3A_71 = arith.constant 0 : index
    %get3A_72 = vector.load %arg1[%get3A_69, %get3A_70, %get3A_71] : memref<1x2048x512xf32, #tpu.memory_space<vmem>>, vector<1x128x512xf32>
    %get3A_73 = vector.shape_cast %get3A_72 : vector<1x128x512xf32> to vector<128x512xf32>
    %mul3A_74 = vector.broadcast %slice3A_68 : vector<128x1xf32> to vector<128x512xf32>
    %mul3A_75 = arith.mulf %mul3A_74, %get3A_73 : vector<128x512xf32>
    %dot_general3A_76 = arith.constant dense<0.000000e+00> : vector<128x512xf32>
    %dot_general3A_77 = tpu.matmul %select_n3A_67, %mul3A_75, %dot_general3A_76 {dimension_numbers = #tpu.dot_dimension_numbers<[1], [0], [0], [1], [0, 0, 1, 1], [], []>, transpose_lhs_hint = false} : vector<128x128xf32>, vector<128x512xf32>, vector<128x512xf32> -> vector<128x512xf32>
    %slice3A_78 = vector.extract_strided_slice %exp3A {offsets = [0, 1], sizes = [128, 1], strides = [1, 1]} : vector<128x16xf32> to vector<128x1xf32>
    %mul3A_79 = vector.broadcast %slice3A_78 : vector<128x1xf32> to vector<128x512xf32>
    %mul3A_80 = vector.broadcast %slice3A_57 : vector<1x512xf32> to vector<128x512xf32>
    %mul3A_81 = arith.mulf %mul3A_79, %mul3A_80 : vector<128x512xf32>
    %add3A_82 = arith.addf %dot_general3A_77, %mul3A_81 : vector<128x512xf32>
    %swap3A_83 = arith.constant 0 : index
    %swap3A_84 = arith.constant 128 : index
    %swap3A_85 = arith.constant 0 : index
    %swap3A_86 = vector.load %arg5[%swap3A_83, %swap3A_84, %swap3A_85] : memref<1x2048x512xf32, #tpu.memory_space<vmem>>, vector<1x128x512xf32>
    %swap3A_87 = vector.shape_cast %swap3A_86 : vector<1x128x512xf32> to vector<128x512xf32>
    %swap3A_88 = vector.shape_cast %add3A_82 : vector<128x512xf32> to vector<1x128x512xf32>
    tpu.vector_store %arg5[%swap3A_83, %swap3A_84, %swap3A_85], %swap3A_88 {strides = array<i32>} : memref<1x2048x512xf32, #tpu.memory_space<vmem>>, vector<1x128x512xf32>,
    %slice3A_89 = vector.extract_strided_slice %add3A_82 {offsets = [127, 0], sizes = [1, 512], strides = [1, 1]} : vector<128x512xf32> to vector<1x512xf32>
    %ge3A_90 = arith.cmpi sge, %iota3A, %iota3A_0 : vector<128x128xi32>
    %slice3A_91 = vector.extract_strided_slice %dot_general3A_26 {offsets = [0, 2], sizes = [128, 1], strides = [1, 1]} : vector<128x16xf32> to vector<128x1xf32>
    %slice3A_92 = vector.extract_strided_slice %dot_general3A_24 {offsets = [2, 0], sizes = [1, 128], strides = [1, 1]} : vector<16x128xf32> to vector<1x128xf32>
    %sub3A_93 = vector.broadcast %slice3A_91 : vector<128x1xf32> to vector<128x128xf32>
    %sub3A_94 = vector.broadcast %slice3A_92 : vector<1x128xf32> to vector<128x128xf32>
    %sub3A_95 = arith.subf %sub3A_93, %sub3A_94 : vector<128x128xf32>
    %exp3A_96 = math.exp %sub3A_95 : vector<128x128xf32>
    %jit3A_97 = arith.constant 0.000000e+00 : f32
    %broadcast_in_dim3A_98 = vector.broadcast %jit3A_97 : f32 to vector<128x128xf32>
    %select_n3A_99 = arith.select %ge3A_90, %exp3A_96, %broadcast_in_dim3A_98 : vector<128x128xi1>, vector<128x128xf32>
    %slice3A_100 = vector.extract_strided_slice %dot_general3A_28 {offsets = [0, 2], sizes = [128, 1], strides = [1, 1]} : vector<128x16xf32> to vector<128x1xf32>
    %get3A_101 = arith.constant 0 : index
    %get3A_102 = arith.constant 256 : index
    %get3A_103 = arith.constant 0 : index
    %get3A_104 = vector.load %arg1[%get3A_101, %get3A_102, %get3A_103] : memref<1x2048x512xf32, #tpu.memory_space<vmem>>, vector<1x128x512xf32>
    %get3A_105 = vector.shape_cast %get3A_104 : vector<1x128x512xf32> to vector<128x512xf32>
    %mul3A_106 = vector.broadcast %slice3A_100 : vector<128x1xf32> to vector<128x512xf32>
    %mul3A_107 = arith.mulf %mul3A_106, %get3A_105 : vector<128x512xf32>
    %dot_general3A_108 = arith.constant dense<0.000000e+00> : vector<128x512xf32>
    %dot_general3A_109 = tpu.matmul %select_n3A_99, %mul3A_107, %dot_general3A_108 {dimension_numbers = #tpu.dot_dimension_numbers<[1], [0], [0], [1], [0, 0, 1, 1], [], []>, transpose_lhs_hint = false} : vector<128x128xf32>, vector<128x512xf32>, vector<128x512xf32> -> vector<128x512xf32>
    %slice3A_110 = vector.extract_strided_slice %exp3A {offsets = [0, 2], sizes = [128, 1], strides = [1, 1]} : vector<128x16xf32> to vector<128x1xf32>
    %mul3A_111 = vector.broadcast %slice3A_110 : vector<128x1xf32> to vector<128x512xf32>
    %mul3A_112 = vector.broadcast %slice3A_89 : vector<1x512xf32> to vector<128x512xf32>
    %mul3A_113 = arith.mulf %mul3A_111, %mul3A_112 : vector<128x512xf32>
    %add3A_114 = arith.addf %dot_general3A_109, %mul3A_113 : vector<128x512xf32>
    %swap3A_115 = arith.constant 0 : index
    %swap3A_116 = arith.constant 256 : index
    %swap3A_117 = arith.constant 0 : index
    %swap3A_118 = vector.load %arg5[%swap3A_115, %swap3A_116, %swap3A_117] : memref<1x2048x512xf32, #tpu.memory_space<vmem>>, vector<1x128x512xf32>
    %swap3A_119 = vector.shape_cast %swap3A_118 : vector<1x128x512xf32> to vector<128x512xf32>
    %swap3A_120 = vector.shape_cast %add3A_114 : vector<128x512xf32> to vector<1x128x512xf32>
    tpu.vector_store %arg5[%swap3A_115, %swap3A_116, %swap3A_117], %swap3A_120 {strides = array<i32>} : memref<1x2048x512xf32, #tpu.memory_space<vmem>>, vector<1x128x512xf32>,
    %slice3A_121 = vector.extract_strided_slice %add3A_114 {offsets = [127, 0], sizes = [1, 512], strides = [1, 1]} : vector<128x512xf32> to vector<1x512xf32>
    %ge3A_122 = arith.cmpi sge, %iota3A, %iota3A_0 : vector<128x128xi32>
    %slice3A_123 = vector.extract_strided_slice %dot_general3A_26 {offsets = [0, 3], sizes = [128, 1], strides = [1, 1]} : vector<128x16xf32> to vector<128x1xf32>
    %slice3A_124 = vector.extract_strided_slice %dot_general3A_24 {offsets = [3, 0], sizes = [1, 128], strides = [1, 1]} : vector<16x128xf32> to vector<1x128xf32>
    %sub3A_125 = vector.broadcast %slice3A_123 : vector<128x1xf32> to vector<128x128xf32>
    %sub3A_126 = vector.broadcast %slice3A_124 : vector<1x128xf32> to vector<128x128xf32>
    %sub3A_127 = arith.subf %sub3A_125, %sub3A_126 : vector<128x128xf32>
    %exp3A_128 = math.exp %sub3A_127 : vector<128x128xf32>
    %jit3A_129 = arith.constant 0.000000e+00 : f32
    %broadcast_in_dim3A_130 = vector.broadcast %jit3A_129 : f32 to vector<128x128xf32>
    %select_n3A_131 = arith.select %ge3A_122, %exp3A_128, %broadcast_in_dim3A_130 : vector<128x128xi1>, vector<128x128xf32>
    %slice3A_132 = vector.extract_strided_slice %dot_general3A_28 {offsets = [0, 3], sizes = [128, 1], strides = [1, 1]} : vector<128x16xf32> to vector<128x1xf32>
    %get3A_133 = arith.constant 0 : index
    %get3A_134 = arith.constant 384 : index
    %get3A_135 = arith.constant 0 : index
    %get3A_136 = vector.load %arg1[%get3A_133, %get3A_134, %get3A_135] : memref<1x2048x512xf32, #tpu.memory_space<vmem>>, vector<1x128x512xf32>
    %get3A_137 = vector.shape_cast %get3A_136 : vector<1x128x512xf32> to vector<128x512xf32>
    %mul3A_138 = vector.broadcast %slice3A_132 : vector<128x1xf32> to vector<128x512xf32>
    %mul3A_139 = arith.mulf %mul3A_138, %get3A_137 : vector<128x512xf32>
    %dot_general3A_140 = arith.constant dense<0.000000e+00> : vector<128x512xf32>
    %dot_general3A_141 = tpu.matmul %select_n3A_131, %mul3A_139, %dot_general3A_140 {dimension_numbers = #tpu.dot_dimension_numbers<[1], [0], [0], [1], [0, 0, 1, 1], [], []>, transpose_lhs_hint = false} : vector<128x128xf32>, vector<128x512xf32>, vector<128x512xf32> -> vector<128x512xf32>
    %slice3A_142 = vector.extract_strided_slice %exp3A {offsets = [0, 3], sizes = [128, 1], strides = [1, 1]} : vector<128x16xf32> to vector<128x1xf32>
    %mul3A_143 = vector.broadcast %slice3A_142 : vector<128x1xf32> to vector<128x512xf32>
    %mul3A_144 = vector.broadcast %slice3A_121 : vector<1x512xf32> to vector<128x512xf32>
    %mul3A_145 = arith.mulf %mul3A_143, %mul3A_144 : vector<128x512xf32>
    %add3A_146 = arith.addf %dot_general3A_141, %mul3A_145 : vector<128x512xf32>
    %swap3A_147 = arith.constant 0 : index
    %swap3A_148 = arith.constant 384 : index
    %swap3A_149 = arith.constant 0 : index
    %swap3A_150 = vector.load %arg5[%swap3A_147, %swap3A_148, %swap3A_149] : memref<1x2048x512xf32, #tpu.memory_space<vmem>>, vector<1x128x512xf32>
    %swap3A_151 = vector.shape_cast %swap3A_150 : vector<1x128x512xf32> to vector<128x512xf32>
    %swap3A_152 = vector.shape_cast %add3A_146 : vector<128x512xf32> to vector<1x128x512xf32>
    tpu.vector_store %arg5[%swap3A_147, %swap3A_148, %swap3A_149], %swap3A_152 {strides = array<i32>} : memref<1x2048x512xf32, #tpu.memory_space<vmem>>, vector<1x128x512xf32>,
    %slice3A_153 = vector.extract_strided_slice %add3A_146 {offsets = [127, 0], sizes = [1, 512], strides = [1, 1]} : vector<128x512xf32> to vector<1x512xf32>
    %ge3A_154 = arith.cmpi sge, %iota3A, %iota3A_0 : vector<128x128xi32>
    %slice3A_155 = vector.extract_strided_slice %dot_general3A_26 {offsets = [0, 4], sizes = [128, 1], strides = [1, 1]} : vector<128x16xf32> to vector<128x1xf32>
    %slice3A_156 = vector.extract_strided_slice %dot_general3A_24 {offsets = [4, 0], sizes = [1, 128], strides = [1, 1]} : vector<16x128xf32> to vector<1x128xf32>
    %sub3A_157 = vector.broadcast %slice3A_155 : vector<128x1xf32> to vector<128x128xf32>
    %sub3A_158 = vector.broadcast %slice3A_156 : vector<1x128xf32> to vector<128x128xf32>
    %sub3A_159 = arith.subf %sub3A_157, %sub3A_158 : vector<128x128xf32>
    %exp3A_160 = math.exp %sub3A_159 : vector<128x128xf32>
    %jit3A_161 = arith.constant 0.000000e+00 : f32
    %broadcast_in_dim3A_162 = vector.broadcast %jit3A_161 : f32 to vector<128x128xf32>
    %select_n3A_163 = arith.select %ge3A_154, %exp3A_160, %broadcast_in_dim3A_162 : vector<128x128xi1>, vector<128x128xf32>
    %slice3A_164 = vector.extract_strided_slice %dot_general3A_28 {offsets = [0, 4], sizes = [128, 1], strides = [1, 1]} : vector<128x16xf32> to vector<128x1xf32>
    %get3A_165 = arith.constant 0 : index
    %get3A_166 = arith.constant 512 : index
    %get3A_167 = arith.constant 0 : index
    %get3A_168 = vector.load %arg1[%get3A_165, %get3A_166, %get3A_167] : memref<1x2048x512xf32, #tpu.memory_space<vmem>>, vector<1x128x512xf32>
    %get3A_169 = vector.shape_cast %get3A_168 : vector<1x128x512xf32> to vector<128x512xf32>
    %mul3A_170 = vector.broadcast %slice3A_164 : vector<128x1xf32> to vector<128x512xf32>
    %mul3A_171 = arith.mulf %mul3A_170, %get3A_169 : vector<128x512xf32>
    %dot_general3A_172 = arith.constant dense<0.000000e+00> : vector<128x512xf32>
    %dot_general3A_173 = tpu.matmul %select_n3A_163, %mul3A_171, %dot_general3A_172 {dimension_numbers = #tpu.dot_dimension_numbers<[1], [0], [0], [1], [0, 0, 1, 1], [], []>, transpose_lhs_hint = false} : vector<128x128xf32>, vector<128x512xf32>, vector<128x512xf32> -> vector<128x512xf32>
    %slice3A_174 = vector.extract_strided_slice %exp3A {offsets = [0, 4], sizes = [128, 1], strides = [1, 1]} : vector<128x16xf32> to vector<128x1xf32>
    %mul3A_175 = vector.broadcast %slice3A_174 : vector<128x1xf32> to vector<128x512xf32>
    %mul3A_176 = vector.broadcast %slice3A_153 : vector<1x512xf32> to vector<128x512xf32>
    %mul3A_177 = arith.mulf %mul3A_175, %mul3A_176 : vector<128x512xf32>
    %add3A_178 = arith.addf %dot_general3A_173, %mul3A_177 : vector<128x512xf32>
    %swap3A_179 = arith.constant 0 : index
    %swap3A_180 = arith.constant 512 : index
    %swap3A_181 = arith.constant 0 : index
    %swap3A_182 = vector.load %arg5[%swap3A_179, %swap3A_180, %swap3A_181] : memref<1x2048x512xf32, #tpu.memory_space<vmem>>, vector<1x128x512xf32>
    %swap3A_183 = vector.shape_cast %swap3A_182 : vector<1x128x512xf32> to vector<128x512xf32>
    %swap3A_184 = vector.shape_cast %add3A_178 : vector<128x512xf32> to vector<1x128x512xf32>
    tpu.vector_store %arg5[%swap3A_179, %swap3A_180, %swap3A_181], %swap3A_184 {strides = array<i32>} : memref<1x2048x512xf32, #tpu.memory_space<vmem>>, vector<1x128x512xf32>,
    %slice3A_185 = vector.extract_strided_slice %add3A_178 {offsets = [127, 0], sizes = [1, 512], strides = [1, 1]} : vector<128x512xf32> to vector<1x512xf32>
    %ge3A_186 = arith.cmpi sge, %iota3A, %iota3A_0 : vector<128x128xi32>
    %slice3A_187 = vector.extract_strided_slice %dot_general3A_26 {offsets = [0, 5], sizes = [128, 1], strides = [1, 1]} : vector<128x16xf32> to vector<128x1xf32>
    %slice3A_188 = vector.extract_strided_slice %dot_general3A_24 {offsets = [5, 0], sizes = [1, 128], strides = [1, 1]} : vector<16x128xf32> to vector<1x128xf32>
    %sub3A_189 = vector.broadcast %slice3A_187 : vector<128x1xf32> to vector<128x128xf32>
    %sub3A_190 = vector.broadcast %slice3A_188 : vector<1x128xf32> to vector<128x128xf32>
    %sub3A_191 = arith.subf %sub3A_189, %sub3A_190 : vector<128x128xf32>
    %exp3A_192 = math.exp %sub3A_191 : vector<128x128xf32>
    %jit3A_193 = arith.constant 0.000000e+00 : f32
    %broadcast_in_dim3A_194 = vector.broadcast %jit3A_193 : f32 to vector<128x128xf32>
    %select_n3A_195 = arith.select %ge3A_186, %exp3A_192, %broadcast_in_dim3A_194 : vector<128x128xi1>, vector<128x128xf32>
    %slice3A_196 = vector.extract_strided_slice %dot_general3A_28 {offsets = [0, 5], sizes = [128, 1], strides = [1, 1]} : vector<128x16xf32> to vector<128x1xf32>
    %get3A_197 = arith.constant 0 : index
    %get3A_198 = arith.constant 640 : index
    %get3A_199 = arith.constant 0 : index
    %get3A_200 = vector.load %arg1[%get3A_197, %get3A_198, %get3A_199] : memref<1x2048x512xf32, #tpu.memory_space<vmem>>, vector<1x128x512xf32>
    %get3A_201 = vector.shape_cast %get3A_200 : vector<1x128x512xf32> to vector<128x512xf32>
    %mul3A_202 = vector.broadcast %slice3A_196 : vector<128x1xf32> to vector<128x512xf32>
    %mul3A_203 = arith.mulf %mul3A_202, %get3A_201 : vector<128x512xf32>
    %dot_general3A_204 = arith.constant dense<0.000000e+00> : vector<128x512xf32>
    %dot_general3A_205 = tpu.matmul %select_n3A_195, %mul3A_203, %dot_general3A_204 {dimension_numbers = #tpu.dot_dimension_numbers<[1], [0], [0], [1], [0, 0, 1, 1], [], []>, transpose_lhs_hint = false} : vector<128x128xf32>, vector<128x512xf32>, vector<128x512xf32> -> vector<128x512xf32>
    %slice3A_206 = vector.extract_strided_slice %exp3A {offsets = [0, 5], sizes = [128, 1], strides = [1, 1]} : vector<128x16xf32> to vector<128x1xf32>
    %mul3A_207 = vector.broadcast %slice3A_206 : vector<128x1xf32> to vector<128x512xf32>
    %mul3A_208 = vector.broadcast %slice3A_185 : vector<1x512xf32> to vector<128x512xf32>
    %mul3A_209 = arith.mulf %mul3A_207, %mul3A_208 : vector<128x512xf32>
    %add3A_210 = arith.addf %dot_general3A_205, %mul3A_209 : vector<128x512xf32>
    %swap3A_211 = arith.constant 0 : index
    %swap3A_212 = arith.constant 640 : index
    %swap3A_213 = arith.constant 0 : index
    %swap3A_214 = vector.load %arg5[%swap3A_211, %swap3A_212, %swap3A_213] : memref<1x2048x512xf32, #tpu.memory_space<vmem>>, vector<1x128x512xf32>
    %swap3A_215 = vector.shape_cast %swap3A_214 : vector<1x128x512xf32> to vector<128x512xf32>
    %swap3A_216 = vector.shape_cast %add3A_210 : vector<128x512xf32> to vector<1x128x512xf32>
    tpu.vector_store %arg5[%swap3A_211, %swap3A_212, %swap3A_213], %swap3A_216 {strides = array<i32>} : memref<1x2048x512xf32, #tpu.memory_space<vmem>>, vector<1x128x512xf32>,
    %slice3A_217 = vector.extract_strided_slice %add3A_210 {offsets = [127, 0], sizes = [1, 512], strides = [1, 1]} : vector<128x512xf32> to vector<1x512xf32>
    %ge3A_218 = arith.cmpi sge, %iota3A, %iota3A_0 : vector<128x128xi32>
    %slice3A_219 = vector.extract_strided_slice %dot_general3A_26 {offsets = [0, 6], sizes = [128, 1], strides = [1, 1]} : vector<128x16xf32> to vector<128x1xf32>
    %slice3A_220 = vector.extract_strided_slice %dot_general3A_24 {offsets = [6, 0], sizes = [1, 128], strides = [1, 1]} : vector<16x128xf32> to vector<1x128xf32>
    %sub3A_221 = vector.broadcast %slice3A_219 : vector<128x1xf32> to vector<128x128xf32>
    %sub3A_222 = vector.broadcast %slice3A_220 : vector<1x128xf32> to vector<128x128xf32>
    %sub3A_223 = arith.subf %sub3A_221, %sub3A_222 : vector<128x128xf32>
    %exp3A_224 = math.exp %sub3A_223 : vector<128x128xf32>
    %jit3A_225 = arith.constant 0.000000e+00 : f32
    %broadcast_in_dim3A_226 = vector.broadcast %jit3A_225 : f32 to vector<128x128xf32>
    %select_n3A_227 = arith.select %ge3A_218, %exp3A_224, %broadcast_in_dim3A_226 : vector<128x128xi1>, vector<128x128xf32>
    %slice3A_228 = vector.extract_strided_slice %dot_general3A_28 {offsets = [0, 6], sizes = [128, 1], strides = [1, 1]} : vector<128x16xf32> to vector<128x1xf32>
    %get3A_229 = arith.constant 0 : index
    %get3A_230 = arith.constant 768 : index
    %get3A_231 = arith.constant 0 : index
    %get3A_232 = vector.load %arg1[%get3A_229, %get3A_230, %get3A_231] : memref<1x2048x512xf32, #tpu.memory_space<vmem>>, vector<1x128x512xf32>
    %get3A_233 = vector.shape_cast %get3A_232 : vector<1x128x512xf32> to vector<128x512xf32>
    %mul3A_234 = vector.broadcast %slice3A_228 : vector<128x1xf32> to vector<128x512xf32>
    %mul3A_235 = arith.mulf %mul3A_234, %get3A_233 : vector<128x512xf32>
    %dot_general3A_236 = arith.constant dense<0.000000e+00> : vector<128x512xf32>
    %dot_general3A_237 = tpu.matmul %select_n3A_227, %mul3A_235, %dot_general3A_236 {dimension_numbers = #tpu.dot_dimension_numbers<[1], [0], [0], [1], [0, 0, 1, 1], [], []>, transpose_lhs_hint = false} : vector<128x128xf32>, vector<128x512xf32>, vector<128x512xf32> -> vector<128x512xf32>
    %slice3A_238 = vector.extract_strided_slice %exp3A {offsets = [0, 6], sizes = [128, 1], strides = [1, 1]} : vector<128x16xf32> to vector<128x1xf32>
    %mul3A_239 = vector.broadcast %slice3A_238 : vector<128x1xf32> to vector<128x512xf32>
    %mul3A_240 = vector.broadcast %slice3A_217 : vector<1x512xf32> to vector<128x512xf32>
    %mul3A_241 = arith.mulf %mul3A_239, %mul3A_240 : vector<128x512xf32>
    %add3A_242 = arith.addf %dot_general3A_237, %mul3A_241 : vector<128x512xf32>
    %swap3A_243 = arith.constant 0 : index
    %swap3A_244 = arith.constant 768 : index
    %swap3A_245 = arith.constant 0 : index
    %swap3A_246 = vector.load %arg5[%swap3A_243, %swap3A_244, %swap3A_245] : memref<1x2048x512xf32, #tpu.memory_space<vmem>>, vector<1x128x512xf32>
    %swap3A_247 = vector.shape_cast %swap3A_246 : vector<1x128x512xf32> to vector<128x512xf32>
    %swap3A_248 = vector.shape_cast %add3A_242 : vector<128x512xf32> to vector<1x128x512xf32>
    tpu.vector_store %arg5[%swap3A_243, %swap3A_244, %swap3A_245], %swap3A_248 {strides = array<i32>} : memref<1x2048x512xf32, #tpu.memory_space<vmem>>, vector<1x128x512xf32>,
    %slice3A_249 = vector.extract_strided_slice %add3A_242 {offsets = [127, 0], sizes = [1, 512], strides = [1, 1]} : vector<128x512xf32> to vector<1x512xf32>
    %ge3A_250 = arith.cmpi sge, %iota3A, %iota3A_0 : vector<128x128xi32>
    %slice3A_251 = vector.extract_strided_slice %dot_general3A_26 {offsets = [0, 7], sizes = [128, 1], strides = [1, 1]} : vector<128x16xf32> to vector<128x1xf32>
    %slice3A_252 = vector.extract_strided_slice %dot_general3A_24 {offsets = [7, 0], sizes = [1, 128], strides = [1, 1]} : vector<16x128xf32> to vector<1x128xf32>
    %sub3A_253 = vector.broadcast %slice3A_251 : vector<128x1xf32> to vector<128x128xf32>
    %sub3A_254 = vector.broadcast %slice3A_252 : vector<1x128xf32> to vector<128x128xf32>
    %sub3A_255 = arith.subf %sub3A_253, %sub3A_254 : vector<128x128xf32>
    %exp3A_256 = math.exp %sub3A_255 : vector<128x128xf32>
    %jit3A_257 = arith.constant 0.000000e+00 : f32
    %broadcast_in_dim3A_258 = vector.broadcast %jit3A_257 : f32 to vector<128x128xf32>
    %select_n3A_259 = arith.select %ge3A_250, %exp3A_256, %broadcast_in_dim3A_258 : vector<128x128xi1>, vector<128x128xf32>
    %slice3A_260 = vector.extract_strided_slice %dot_general3A_28 {offsets = [0, 7], sizes = [128, 1], strides = [1, 1]} : vector<128x16xf32> to vector<128x1xf32>
    %get3A_261 = arith.constant 0 : index
    %get3A_262 = arith.constant 896 : index
    %get3A_263 = arith.constant 0 : index
    %get3A_264 = vector.load %arg1[%get3A_261, %get3A_262, %get3A_263] : memref<1x2048x512xf32, #tpu.memory_space<vmem>>, vector<1x128x512xf32>
    %get3A_265 = vector.shape_cast %get3A_264 : vector<1x128x512xf32> to vector<128x512xf32>
    %mul3A_266 = vector.broadcast %slice3A_260 : vector<128x1xf32> to vector<128x512xf32>
    %mul3A_267 = arith.mulf %mul3A_266, %get3A_265 : vector<128x512xf32>
    %dot_general3A_268 = arith.constant dense<0.000000e+00> : vector<128x512xf32>
    %dot_general3A_269 = tpu.matmul %select_n3A_259, %mul3A_267, %dot_general3A_268 {dimension_numbers = #tpu.dot_dimension_numbers<[1], [0], [0], [1], [0, 0, 1, 1], [], []>, transpose_lhs_hint = false} : vector<128x128xf32>, vector<128x512xf32>, vector<128x512xf32> -> vector<128x512xf32>
    %slice3A_270 = vector.extract_strided_slice %exp3A {offsets = [0, 7], sizes = [128, 1], strides = [1, 1]} : vector<128x16xf32> to vector<128x1xf32>
    %mul3A_271 = vector.broadcast %slice3A_270 : vector<128x1xf32> to vector<128x512xf32>
    %mul3A_272 = vector.broadcast %slice3A_249 : vector<1x512xf32> to vector<128x512xf32>
    %mul3A_273 = arith.mulf %mul3A_271, %mul3A_272 : vector<128x512xf32>
    %add3A_274 = arith.addf %dot_general3A_269, %mul3A_273 : vector<128x512xf32>
    %swap3A_275 = arith.constant 0 : index
    %swap3A_276 = arith.constant 896 : index
    %swap3A_277 = arith.constant 0 : index
    %swap3A_278 = vector.load %arg5[%swap3A_275, %swap3A_276, %swap3A_277] : memref<1x2048x512xf32, #tpu.memory_space<vmem>>, vector<1x128x512xf32>
    %swap3A_279 = vector.shape_cast %swap3A_278 : vector<1x128x512xf32> to vector<128x512xf32>
    %swap3A_280 = vector.shape_cast %add3A_274 : vector<128x512xf32> to vector<1x128x512xf32>
    tpu.vector_store %arg5[%swap3A_275, %swap3A_276, %swap3A_277], %swap3A_280 {strides = array<i32>} : memref<1x2048x512xf32, #tpu.memory_space<vmem>>, vector<1x128x512xf32>,
    %slice3A_281 = vector.extract_strided_slice %add3A_274 {offsets = [127, 0], sizes = [1, 512], strides = [1, 1]} : vector<128x512xf32> to vector<1x512xf32>
    %ge3A_282 = arith.cmpi sge, %iota3A, %iota3A_0 : vector<128x128xi32>
    %slice3A_283 = vector.extract_strided_slice %dot_general3A_26 {offsets = [0, 8], sizes = [128, 1], strides = [1, 1]} : vector<128x16xf32> to vector<128x1xf32>
    %slice3A_284 = vector.extract_strided_slice %dot_general3A_24 {offsets = [8, 0], sizes = [1, 128], strides = [1, 1]} : vector<16x128xf32> to vector<1x128xf32>
    %sub3A_285 = vector.broadcast %slice3A_283 : vector<128x1xf32> to vector<128x128xf32>
    %sub3A_286 = vector.broadcast %slice3A_284 : vector<1x128xf32> to vector<128x128xf32>
    %sub3A_287 = arith.subf %sub3A_285, %sub3A_286 : vector<128x128xf32>
    %exp3A_288 = math.exp %sub3A_287 : vector<128x128xf32>
    %jit3A_289 = arith.constant 0.000000e+00 : f32
    %broadcast_in_dim3A_290 = vector.broadcast %jit3A_289 : f32 to vector<128x128xf32>
    %select_n3A_291 = arith.select %ge3A_282, %exp3A_288, %broadcast_in_dim3A_290 : vector<128x128xi1>, vector<128x128xf32>
    %slice3A_292 = vector.extract_strided_slice %dot_general3A_28 {offsets = [0, 8], sizes = [128, 1], strides = [1, 1]} : vector<128x16xf32> to vector<128x1xf32>
    %get3A_293 = arith.constant 0 : index
    %get3A_294 = arith.constant 1024 : index
    %get3A_295 = arith.constant 0 : index
    %get3A_296 = vector.load %arg1[%get3A_293, %get3A_294, %get3A_295] : memref<1x2048x512xf32, #tpu.memory_space<vmem>>, vector<1x128x512xf32>
    %get3A_297 = vector.shape_cast %get3A_296 : vector<1x128x512xf32> to vector<128x512xf32>
    %mul3A_298 = vector.broadcast %slice3A_292 : vector<128x1xf32> to vector<128x512xf32>
    %mul3A_299 = arith.mulf %mul3A_298, %get3A_297 : vector<128x512xf32>
    %dot_general3A_300 = arith.constant dense<0.000000e+00> : vector<128x512xf32>
    %dot_general3A_301 = tpu.matmul %select_n3A_291, %mul3A_299, %dot_general3A_300 {dimension_numbers = #tpu.dot_dimension_numbers<[1], [0], [0], [1], [0, 0, 1, 1], [], []>, transpose_lhs_hint = false} : vector<128x128xf32>, vector<128x512xf32>, vector<128x512xf32> -> vector<128x512xf32>
    %slice3A_302 = vector.extract_strided_slice %exp3A {offsets = [0, 8], sizes = [128, 1], strides = [1, 1]} : vector<128x16xf32> to vector<128x1xf32>
    %mul3A_303 = vector.broadcast %slice3A_302 : vector<128x1xf32> to vector<128x512xf32>
    %mul3A_304 = vector.broadcast %slice3A_281 : vector<1x512xf32> to vector<128x512xf32>
    %mul3A_305 = arith.mulf %mul3A_303, %mul3A_304 : vector<128x512xf32>
    %add3A_306 = arith.addf %dot_general3A_301, %mul3A_305 : vector<128x512xf32>
    %swap3A_307 = arith.constant 0 : index
    %swap3A_308 = arith.constant 1024 : index
    %swap3A_309 = arith.constant 0 : index
    %swap3A_310 = vector.load %arg5[%swap3A_307, %swap3A_308, %swap3A_309] : memref<1x2048x512xf32, #tpu.memory_space<vmem>>, vector<1x128x512xf32>
    %swap3A_311 = vector.shape_cast %swap3A_310 : vector<1x128x512xf32> to vector<128x512xf32>
    %swap3A_312 = vector.shape_cast %add3A_306 : vector<128x512xf32> to vector<1x128x512xf32>
    tpu.vector_store %arg5[%swap3A_307, %swap3A_308, %swap3A_309], %swap3A_312 {strides = array<i32>} : memref<1x2048x512xf32, #tpu.memory_space<vmem>>, vector<1x128x512xf32>,
    %slice3A_313 = vector.extract_strided_slice %add3A_306 {offsets = [127, 0], sizes = [1, 512], strides = [1, 1]} : vector<128x512xf32> to vector<1x512xf32>
    %ge3A_314 = arith.cmpi sge, %iota3A, %iota3A_0 : vector<128x128xi32>
    %slice3A_315 = vector.extract_strided_slice %dot_general3A_26 {offsets = [0, 9], sizes = [128, 1], strides = [1, 1]} : vector<128x16xf32> to vector<128x1xf32>
    %slice3A_316 = vector.extract_strided_slice %dot_general3A_24 {offsets = [9, 0], sizes = [1, 128], strides = [1, 1]} : vector<16x128xf32> to vector<1x128xf32>
    %sub3A_317 = vector.broadcast %slice3A_315 : vector<128x1xf32> to vector<128x128xf32>
    %sub3A_318 = vector.broadcast %slice3A_316 : vector<1x128xf32> to vector<128x128xf32>
    %sub3A_319 = arith.subf %sub3A_317, %sub3A_318 : vector<128x128xf32>
    %exp3A_320 = math.exp %sub3A_319 : vector<128x128xf32>
    %jit3A_321 = arith.constant 0.000000e+00 : f32
    %broadcast_in_dim3A_322 = vector.broadcast %jit3A_321 : f32 to vector<128x128xf32>
    %select_n3A_323 = arith.select %ge3A_314, %exp3A_320, %broadcast_in_dim3A_322 : vector<128x128xi1>, vector<128x128xf32>
    %slice3A_324 = vector.extract_strided_slice %dot_general3A_28 {offsets = [0, 9], sizes = [128, 1], strides = [1, 1]} : vector<128x16xf32> to vector<128x1xf32>
    %get3A_325 = arith.constant 0 : index
    %get3A_326 = arith.constant 1152 : index
    %get3A_327 = arith.constant 0 : index
    %get3A_328 = vector.load %arg1[%get3A_325, %get3A_326, %get3A_327] : memref<1x2048x512xf32, #tpu.memory_space<vmem>>, vector<1x128x512xf32>
    %get3A_329 = vector.shape_cast %get3A_328 : vector<1x128x512xf32> to vector<128x512xf32>
    %mul3A_330 = vector.broadcast %slice3A_324 : vector<128x1xf32> to vector<128x512xf32>
    %mul3A_331 = arith.mulf %mul3A_330, %get3A_329 : vector<128x512xf32>
    %dot_general3A_332 = arith.constant dense<0.000000e+00> : vector<128x512xf32>
    %dot_general3A_333 = tpu.matmul %select_n3A_323, %mul3A_331, %dot_general3A_332 {dimension_numbers = #tpu.dot_dimension_numbers<[1], [0], [0], [1], [0, 0, 1, 1], [], []>, transpose_lhs_hint = false} : vector<128x128xf32>, vector<128x512xf32>, vector<128x512xf32> -> vector<128x512xf32>
    %slice3A_334 = vector.extract_strided_slice %exp3A {offsets = [0, 9], sizes = [128, 1], strides = [1, 1]} : vector<128x16xf32> to vector<128x1xf32>
    %mul3A_335 = vector.broadcast %slice3A_334 : vector<128x1xf32> to vector<128x512xf32>
    %mul3A_336 = vector.broadcast %slice3A_313 : vector<1x512xf32> to vector<128x512xf32>
    %mul3A_337 = arith.mulf %mul3A_335, %mul3A_336 : vector<128x512xf32>
    %add3A_338 = arith.addf %dot_general3A_333, %mul3A_337 : vector<128x512xf32>
    %swap3A_339 = arith.constant 0 : index
    %swap3A_340 = arith.constant 1152 : index
    %swap3A_341 = arith.constant 0 : index
    %swap3A_342 = vector.load %arg5[%swap3A_339, %swap3A_340, %swap3A_341] : memref<1x2048x512xf32, #tpu.memory_space<vmem>>, vector<1x128x512xf32>
    %swap3A_343 = vector.shape_cast %swap3A_342 : vector<1x128x512xf32> to vector<128x512xf32>
    %swap3A_344 = vector.shape_cast %add3A_338 : vector<128x512xf32> to vector<1x128x512xf32>
    tpu.vector_store %arg5[%swap3A_339, %swap3A_340, %swap3A_341], %swap3A_344 {strides = array<i32>} : memref<1x2048x512xf32, #tpu.memory_space<vmem>>, vector<1x128x512xf32>,
    %slice3A_345 = vector.extract_strided_slice %add3A_338 {offsets = [127, 0], sizes = [1, 512], strides = [1, 1]} : vector<128x512xf32> to vector<1x512xf32>
    %ge3A_346 = arith.cmpi sge, %iota3A, %iota3A_0 : vector<128x128xi32>
    %slice3A_347 = vector.extract_strided_slice %dot_general3A_26 {offsets = [0, 10], sizes = [128, 1], strides = [1, 1]} : vector<128x16xf32> to vector<128x1xf32>
    %slice3A_348 = vector.extract_strided_slice %dot_general3A_24 {offsets = [10, 0], sizes = [1, 128], strides = [1, 1]} : vector<16x128xf32> to vector<1x128xf32>
    %sub3A_349 = vector.broadcast %slice3A_347 : vector<128x1xf32> to vector<128x128xf32>
    %sub3A_350 = vector.broadcast %slice3A_348 : vector<1x128xf32> to vector<128x128xf32>
    %sub3A_351 = arith.subf %sub3A_349, %sub3A_350 : vector<128x128xf32>
    %exp3A_352 = math.exp %sub3A_351 : vector<128x128xf32>
    %jit3A_353 = arith.constant 0.000000e+00 : f32
    %broadcast_in_dim3A_354 = vector.broadcast %jit3A_353 : f32 to vector<128x128xf32>
    %select_n3A_355 = arith.select %ge3A_346, %exp3A_352, %broadcast_in_dim3A_354 : vector<128x128xi1>, vector<128x128xf32>
    %slice3A_356 = vector.extract_strided_slice %dot_general3A_28 {offsets = [0, 10], sizes = [128, 1], strides = [1, 1]} : vector<128x16xf32> to vector<128x1xf32>
    %get3A_357 = arith.constant 0 : index
    %get3A_358 = arith.constant 1280 : index
    %get3A_359 = arith.constant 0 : index
    %get3A_360 = vector.load %arg1[%get3A_357, %get3A_358, %get3A_359] : memref<1x2048x512xf32, #tpu.memory_space<vmem>>, vector<1x128x512xf32>
    %get3A_361 = vector.shape_cast %get3A_360 : vector<1x128x512xf32> to vector<128x512xf32>
    %mul3A_362 = vector.broadcast %slice3A_356 : vector<128x1xf32> to vector<128x512xf32>
    %mul3A_363 = arith.mulf %mul3A_362, %get3A_361 : vector<128x512xf32>
    %dot_general3A_364 = arith.constant dense<0.000000e+00> : vector<128x512xf32>
    %dot_general3A_365 = tpu.matmul %select_n3A_355, %mul3A_363, %dot_general3A_364 {dimension_numbers = #tpu.dot_dimension_numbers<[1], [0], [0], [1], [0, 0, 1, 1], [], []>, transpose_lhs_hint = false} : vector<128x128xf32>, vector<128x512xf32>, vector<128x512xf32> -> vector<128x512xf32>
    %slice3A_366 = vector.extract_strided_slice %exp3A {offsets = [0, 10], sizes = [128, 1], strides = [1, 1]} : vector<128x16xf32> to vector<128x1xf32>
    %mul3A_367 = vector.broadcast %slice3A_366 : vector<128x1xf32> to vector<128x512xf32>
    %mul3A_368 = vector.broadcast %slice3A_345 : vector<1x512xf32> to vector<128x512xf32>
    %mul3A_369 = arith.mulf %mul3A_367, %mul3A_368 : vector<128x512xf32>
    %add3A_370 = arith.addf %dot_general3A_365, %mul3A_369 : vector<128x512xf32>
    %swap3A_371 = arith.constant 0 : index
    %swap3A_372 = arith.constant 1280 : index
    %swap3A_373 = arith.constant 0 : index
    %swap3A_374 = vector.load %arg5[%swap3A_371, %swap3A_372, %swap3A_373] : memref<1x2048x512xf32, #tpu.memory_space<vmem>>, vector<1x128x512xf32>
    %swap3A_375 = vector.shape_cast %swap3A_374 : vector<1x128x512xf32> to vector<128x512xf32>
    %swap3A_376 = vector.shape_cast %add3A_370 : vector<128x512xf32> to vector<1x128x512xf32>
    tpu.vector_store %arg5[%swap3A_371, %swap3A_372, %swap3A_373], %swap3A_376 {strides = array<i32>} : memref<1x2048x512xf32, #tpu.memory_space<vmem>>, vector<1x128x512xf32>,
    %slice3A_377 = vector.extract_strided_slice %add3A_370 {offsets = [127, 0], sizes = [1, 512], strides = [1, 1]} : vector<128x512xf32> to vector<1x512xf32>
    %ge3A_378 = arith.cmpi sge, %iota3A, %iota3A_0 : vector<128x128xi32>
    %slice3A_379 = vector.extract_strided_slice %dot_general3A_26 {offsets = [0, 11], sizes = [128, 1], strides = [1, 1]} : vector<128x16xf32> to vector<128x1xf32>
    %slice3A_380 = vector.extract_strided_slice %dot_general3A_24 {offsets = [11, 0], sizes = [1, 128], strides = [1, 1]} : vector<16x128xf32> to vector<1x128xf32>
    %sub3A_381 = vector.broadcast %slice3A_379 : vector<128x1xf32> to vector<128x128xf32>
    %sub3A_382 = vector.broadcast %slice3A_380 : vector<1x128xf32> to vector<128x128xf32>
    %sub3A_383 = arith.subf %sub3A_381, %sub3A_382 : vector<128x128xf32>
    %exp3A_384 = math.exp %sub3A_383 : vector<128x128xf32>
    %jit3A_385 = arith.constant 0.000000e+00 : f32
    %broadcast_in_dim3A_386 = vector.broadcast %jit3A_385 : f32 to vector<128x128xf32>
    %select_n3A_387 = arith.select %ge3A_378, %exp3A_384, %broadcast_in_dim3A_386 : vector<128x128xi1>, vector<128x128xf32>
    %slice3A_388 = vector.extract_strided_slice %dot_general3A_28 {offsets = [0, 11], sizes = [128, 1], strides = [1, 1]} : vector<128x16xf32> to vector<128x1xf32>
    %get3A_389 = arith.constant 0 : index
    %get3A_390 = arith.constant 1408 : index
    %get3A_391 = arith.constant 0 : index
    %get3A_392 = vector.load %arg1[%get3A_389, %get3A_390, %get3A_391] : memref<1x2048x512xf32, #tpu.memory_space<vmem>>, vector<1x128x512xf32>
    %get3A_393 = vector.shape_cast %get3A_392 : vector<1x128x512xf32> to vector<128x512xf32>
    %mul3A_394 = vector.broadcast %slice3A_388 : vector<128x1xf32> to vector<128x512xf32>
    %mul3A_395 = arith.mulf %mul3A_394, %get3A_393 : vector<128x512xf32>
    %dot_general3A_396 = arith.constant dense<0.000000e+00> : vector<128x512xf32>
    %dot_general3A_397 = tpu.matmul %select_n3A_387, %mul3A_395, %dot_general3A_396 {dimension_numbers = #tpu.dot_dimension_numbers<[1], [0], [0], [1], [0, 0, 1, 1], [], []>, transpose_lhs_hint = false} : vector<128x128xf32>, vector<128x512xf32>, vector<128x512xf32> -> vector<128x512xf32>
    %slice3A_398 = vector.extract_strided_slice %exp3A {offsets = [0, 11], sizes = [128, 1], strides = [1, 1]} : vector<128x16xf32> to vector<128x1xf32>
    %mul3A_399 = vector.broadcast %slice3A_398 : vector<128x1xf32> to vector<128x512xf32>
    %mul3A_400 = vector.broadcast %slice3A_377 : vector<1x512xf32> to vector<128x512xf32>
    %mul3A_401 = arith.mulf %mul3A_399, %mul3A_400 : vector<128x512xf32>
    %add3A_402 = arith.addf %dot_general3A_397, %mul3A_401 : vector<128x512xf32>
    %swap3A_403 = arith.constant 0 : index
    %swap3A_404 = arith.constant 1408 : index
    %swap3A_405 = arith.constant 0 : index
    %swap3A_406 = vector.load %arg5[%swap3A_403, %swap3A_404, %swap3A_405] : memref<1x2048x512xf32, #tpu.memory_space<vmem>>, vector<1x128x512xf32>
    %swap3A_407 = vector.shape_cast %swap3A_406 : vector<1x128x512xf32> to vector<128x512xf32>
    %swap3A_408 = vector.shape_cast %add3A_402 : vector<128x512xf32> to vector<1x128x512xf32>
    tpu.vector_store %arg5[%swap3A_403, %swap3A_404, %swap3A_405], %swap3A_408 {strides = array<i32>} : memref<1x2048x512xf32, #tpu.memory_space<vmem>>, vector<1x128x512xf32>,
    %slice3A_409 = vector.extract_strided_slice %add3A_402 {offsets = [127, 0], sizes = [1, 512], strides = [1, 1]} : vector<128x512xf32> to vector<1x512xf32>
    %ge3A_410 = arith.cmpi sge, %iota3A, %iota3A_0 : vector<128x128xi32>
    %slice3A_411 = vector.extract_strided_slice %dot_general3A_26 {offsets = [0, 12], sizes = [128, 1], strides = [1, 1]} : vector<128x16xf32> to vector<128x1xf32>
    %slice3A_412 = vector.extract_strided_slice %dot_general3A_24 {offsets = [12, 0], sizes = [1, 128], strides = [1, 1]} : vector<16x128xf32> to vector<1x128xf32>
    %sub3A_413 = vector.broadcast %slice3A_411 : vector<128x1xf32> to vector<128x128xf32>
    %sub3A_414 = vector.broadcast %slice3A_412 : vector<1x128xf32> to vector<128x128xf32>
    %sub3A_415 = arith.subf %sub3A_413, %sub3A_414 : vector<128x128xf32>
    %exp3A_416 = math.exp %sub3A_415 : vector<128x128xf32>
    %jit3A_417 = arith.constant 0.000000e+00 : f32
    %broadcast_in_dim3A_418 = vector.broadcast %jit3A_417 : f32 to vector<128x128xf32>
    %select_n3A_419 = arith.select %ge3A_410, %exp3A_416, %broadcast_in_dim3A_418 : vector<128x128xi1>, vector<128x128xf32>
    %slice3A_420 = vector.extract_strided_slice %dot_general3A_28 {offsets = [0, 12], sizes = [128, 1], strides = [1, 1]} : vector<128x16xf32> to vector<128x1xf32>
    %get3A_421 = arith.constant 0 : index
    %get3A_422 = arith.constant 1536 : index
    %get3A_423 = arith.constant 0 : index
    %get3A_424 = vector.load %arg1[%get3A_421, %get3A_422, %get3A_423] : memref<1x2048x512xf32, #tpu.memory_space<vmem>>, vector<1x128x512xf32>
    %get3A_425 = vector.shape_cast %get3A_424 : vector<1x128x512xf32> to vector<128x512xf32>
    %mul3A_426 = vector.broadcast %slice3A_420 : vector<128x1xf32> to vector<128x512xf32>
    %mul3A_427 = arith.mulf %mul3A_426, %get3A_425 : vector<128x512xf32>
    %dot_general3A_428 = arith.constant dense<0.000000e+00> : vector<128x512xf32>
    %dot_general3A_429 = tpu.matmul %select_n3A_419, %mul3A_427, %dot_general3A_428 {dimension_numbers = #tpu.dot_dimension_numbers<[1], [0], [0], [1], [0, 0, 1, 1], [], []>, transpose_lhs_hint = false} : vector<128x128xf32>, vector<128x512xf32>, vector<128x512xf32> -> vector<128x512xf32>
    %slice3A_430 = vector.extract_strided_slice %exp3A {offsets = [0, 12], sizes = [128, 1], strides = [1, 1]} : vector<128x16xf32> to vector<128x1xf32>
    %mul3A_431 = vector.broadcast %slice3A_430 : vector<128x1xf32> to vector<128x512xf32>
    %mul3A_432 = vector.broadcast %slice3A_409 : vector<1x512xf32> to vector<128x512xf32>
    %mul3A_433 = arith.mulf %mul3A_431, %mul3A_432 : vector<128x512xf32>
    %add3A_434 = arith.addf %dot_general3A_429, %mul3A_433 : vector<128x512xf32>
    %swap3A_435 = arith.constant 0 : index
    %swap3A_436 = arith.constant 1536 : index
    %swap3A_437 = arith.constant 0 : index
    %swap3A_438 = vector.load %arg5[%swap3A_435, %swap3A_436, %swap3A_437] : memref<1x2048x512xf32, #tpu.memory_space<vmem>>, vector<1x128x512xf32>
    %swap3A_439 = vector.shape_cast %swap3A_438 : vector<1x128x512xf32> to vector<128x512xf32>
    %swap3A_440 = vector.shape_cast %add3A_434 : vector<128x512xf32> to vector<1x128x512xf32>
    tpu.vector_store %arg5[%swap3A_435, %swap3A_436, %swap3A_437], %swap3A_440 {strides = array<i32>} : memref<1x2048x512xf32, #tpu.memory_space<vmem>>, vector<1x128x512xf32>,
    %slice3A_441 = vector.extract_strided_slice %add3A_434 {offsets = [127, 0], sizes = [1, 512], strides = [1, 1]} : vector<128x512xf32> to vector<1x512xf32>
    %ge3A_442 = arith.cmpi sge, %iota3A, %iota3A_0 : vector<128x128xi32>
    %slice3A_443 = vector.extract_strided_slice %dot_general3A_26 {offsets = [0, 13], sizes = [128, 1], strides = [1, 1]} : vector<128x16xf32> to vector<128x1xf32>
    %slice3A_444 = vector.extract_strided_slice %dot_general3A_24 {offsets = [13, 0], sizes = [1, 128], strides = [1, 1]} : vector<16x128xf32> to vector<1x128xf32>
    %sub3A_445 = vector.broadcast %slice3A_443 : vector<128x1xf32> to vector<128x128xf32>
    %sub3A_446 = vector.broadcast %slice3A_444 : vector<1x128xf32> to vector<128x128xf32>
    %sub3A_447 = arith.subf %sub3A_445, %sub3A_446 : vector<128x128xf32>
    %exp3A_448 = math.exp %sub3A_447 : vector<128x128xf32>
    %jit3A_449 = arith.constant 0.000000e+00 : f32
    %broadcast_in_dim3A_450 = vector.broadcast %jit3A_449 : f32 to vector<128x128xf32>
    %select_n3A_451 = arith.select %ge3A_442, %exp3A_448, %broadcast_in_dim3A_450 : vector<128x128xi1>, vector<128x128xf32>
    %slice3A_452 = vector.extract_strided_slice %dot_general3A_28 {offsets = [0, 13], sizes = [128, 1], strides = [1, 1]} : vector<128x16xf32> to vector<128x1xf32>
    %get3A_453 = arith.constant 0 : index
    %get3A_454 = arith.constant 1664 : index
    %get3A_455 = arith.constant 0 : index
    %get3A_456 = vector.load %arg1[%get3A_453, %get3A_454, %get3A_455] : memref<1x2048x512xf32, #tpu.memory_space<vmem>>, vector<1x128x512xf32>
    %get3A_457 = vector.shape_cast %get3A_456 : vector<1x128x512xf32> to vector<128x512xf32>
    %mul3A_458 = vector.broadcast %slice3A_452 : vector<128x1xf32> to vector<128x512xf32>
    %mul3A_459 = arith.mulf %mul3A_458, %get3A_457 : vector<128x512xf32>
    %dot_general3A_460 = arith.constant dense<0.000000e+00> : vector<128x512xf32>
    %dot_general3A_461 = tpu.matmul %select_n3A_451, %mul3A_459, %dot_general3A_460 {dimension_numbers = #tpu.dot_dimension_numbers<[1], [0], [0], [1], [0, 0, 1, 1], [], []>, transpose_lhs_hint = false} : vector<128x128xf32>, vector<128x512xf32>, vector<128x512xf32> -> vector<128x512xf32>
    %slice3A_462 = vector.extract_strided_slice %exp3A {offsets = [0, 13], sizes = [128, 1], strides = [1, 1]} : vector<128x16xf32> to vector<128x1xf32>
    %mul3A_463 = vector.broadcast %slice3A_462 : vector<128x1xf32> to vector<128x512xf32>
    %mul3A_464 = vector.broadcast %slice3A_441 : vector<1x512xf32> to vector<128x512xf32>
    %mul3A_465 = arith.mulf %mul3A_463, %mul3A_464 : vector<128x512xf32>
    %add3A_466 = arith.addf %dot_general3A_461, %mul3A_465 : vector<128x512xf32>
    %swap3A_467 = arith.constant 0 : index
    %swap3A_468 = arith.constant 1664 : index
    %swap3A_469 = arith.constant 0 : index
    %swap3A_470 = vector.load %arg5[%swap3A_467, %swap3A_468, %swap3A_469] : memref<1x2048x512xf32, #tpu.memory_space<vmem>>, vector<1x128x512xf32>
    %swap3A_471 = vector.shape_cast %swap3A_470 : vector<1x128x512xf32> to vector<128x512xf32>
    %swap3A_472 = vector.shape_cast %add3A_466 : vector<128x512xf32> to vector<1x128x512xf32>
    tpu.vector_store %arg5[%swap3A_467, %swap3A_468, %swap3A_469], %swap3A_472 {strides = array<i32>} : memref<1x2048x512xf32, #tpu.memory_space<vmem>>, vector<1x128x512xf32>,
    %slice3A_473 = vector.extract_strided_slice %add3A_466 {offsets = [127, 0], sizes = [1, 512], strides = [1, 1]} : vector<128x512xf32> to vector<1x512xf32>
    %ge3A_474 = arith.cmpi sge, %iota3A, %iota3A_0 : vector<128x128xi32>
    %slice3A_475 = vector.extract_strided_slice %dot_general3A_26 {offsets = [0, 14], sizes = [128, 1], strides = [1, 1]} : vector<128x16xf32> to vector<128x1xf32>
    %slice3A_476 = vector.extract_strided_slice %dot_general3A_24 {offsets = [14, 0], sizes = [1, 128], strides = [1, 1]} : vector<16x128xf32> to vector<1x128xf32>
    %sub3A_477 = vector.broadcast %slice3A_475 : vector<128x1xf32> to vector<128x128xf32>
    %sub3A_478 = vector.broadcast %slice3A_476 : vector<1x128xf32> to vector<128x128xf32>
    %sub3A_479 = arith.subf %sub3A_477, %sub3A_478 : vector<128x128xf32>
    %exp3A_480 = math.exp %sub3A_479 : vector<128x128xf32>
    %jit3A_481 = arith.constant 0.000000e+00 : f32
    %broadcast_in_dim3A_482 = vector.broadcast %jit3A_481 : f32 to vector<128x128xf32>
    %select_n3A_483 = arith.select %ge3A_474, %exp3A_480, %broadcast_in_dim3A_482 : vector<128x128xi1>, vector<128x128xf32>
    %slice3A_484 = vector.extract_strided_slice %dot_general3A_28 {offsets = [0, 14], sizes = [128, 1], strides = [1, 1]} : vector<128x16xf32> to vector<128x1xf32>
    %get3A_485 = arith.constant 0 : index
    %get3A_486 = arith.constant 1792 : index
    %get3A_487 = arith.constant 0 : index
    %get3A_488 = vector.load %arg1[%get3A_485, %get3A_486, %get3A_487] : memref<1x2048x512xf32, #tpu.memory_space<vmem>>, vector<1x128x512xf32>
    %get3A_489 = vector.shape_cast %get3A_488 : vector<1x128x512xf32> to vector<128x512xf32>
    %mul3A_490 = vector.broadcast %slice3A_484 : vector<128x1xf32> to vector<128x512xf32>
    %mul3A_491 = arith.mulf %mul3A_490, %get3A_489 : vector<128x512xf32>
    %dot_general3A_492 = arith.constant dense<0.000000e+00> : vector<128x512xf32>
    %dot_general3A_493 = tpu.matmul %select_n3A_483, %mul3A_491, %dot_general3A_492 {dimension_numbers = #tpu.dot_dimension_numbers<[1], [0], [0], [1], [0, 0, 1, 1], [], []>, transpose_lhs_hint = false} : vector<128x128xf32>, vector<128x512xf32>, vector<128x512xf32> -> vector<128x512xf32>
    %slice3A_494 = vector.extract_strided_slice %exp3A {offsets = [0, 14], sizes = [128, 1], strides = [1, 1]} : vector<128x16xf32> to vector<128x1xf32>
    %mul3A_495 = vector.broadcast %slice3A_494 : vector<128x1xf32> to vector<128x512xf32>
    %mul3A_496 = vector.broadcast %slice3A_473 : vector<1x512xf32> to vector<128x512xf32>
    %mul3A_497 = arith.mulf %mul3A_495, %mul3A_496 : vector<128x512xf32>
    %add3A_498 = arith.addf %dot_general3A_493, %mul3A_497 : vector<128x512xf32>
    %swap3A_499 = arith.constant 0 : index
    %swap3A_500 = arith.constant 1792 : index
    %swap3A_501 = arith.constant 0 : index
    %swap3A_502 = vector.load %arg5[%swap3A_499, %swap3A_500, %swap3A_501] : memref<1x2048x512xf32, #tpu.memory_space<vmem>>, vector<1x128x512xf32>
    %swap3A_503 = vector.shape_cast %swap3A_502 : vector<1x128x512xf32> to vector<128x512xf32>
    %swap3A_504 = vector.shape_cast %add3A_498 : vector<128x512xf32> to vector<1x128x512xf32>
    tpu.vector_store %arg5[%swap3A_499, %swap3A_500, %swap3A_501], %swap3A_504 {strides = array<i32>} : memref<1x2048x512xf32, #tpu.memory_space<vmem>>, vector<1x128x512xf32>,
    %slice3A_505 = vector.extract_strided_slice %add3A_498 {offsets = [127, 0], sizes = [1, 512], strides = [1, 1]} : vector<128x512xf32> to vector<1x512xf32>
    %ge3A_506 = arith.cmpi sge, %iota3A, %iota3A_0 : vector<128x128xi32>
    %slice3A_507 = vector.extract_strided_slice %dot_general3A_26 {offsets = [0, 15], sizes = [128, 1], strides = [1, 1]} : vector<128x16xf32> to vector<128x1xf32>
    %slice3A_508 = vector.extract_strided_slice %dot_general3A_24 {offsets = [15, 0], sizes = [1, 128], strides = [1, 1]} : vector<16x128xf32> to vector<1x128xf32>
    %sub3A_509 = vector.broadcast %slice3A_507 : vector<128x1xf32> to vector<128x128xf32>
    %sub3A_510 = vector.broadcast %slice3A_508 : vector<1x128xf32> to vector<128x128xf32>
    %sub3A_511 = arith.subf %sub3A_509, %sub3A_510 : vector<128x128xf32>
    %exp3A_512 = math.exp %sub3A_511 : vector<128x128xf32>
    %jit3A_513 = arith.constant 0.000000e+00 : f32
    %broadcast_in_dim3A_514 = vector.broadcast %jit3A_513 : f32 to vector<128x128xf32>
    %select_n3A_515 = arith.select %ge3A_506, %exp3A_512, %broadcast_in_dim3A_514 : vector<128x128xi1>, vector<128x128xf32>
    %slice3A_516 = vector.extract_strided_slice %dot_general3A_28 {offsets = [0, 15], sizes = [128, 1], strides = [1, 1]} : vector<128x16xf32> to vector<128x1xf32>
    %get3A_517 = arith.constant 0 : index
    %get3A_518 = arith.constant 1920 : index
    %get3A_519 = arith.constant 0 : index
    %get3A_520 = vector.load %arg1[%get3A_517, %get3A_518, %get3A_519] : memref<1x2048x512xf32, #tpu.memory_space<vmem>>, vector<1x128x512xf32>
    %get3A_521 = vector.shape_cast %get3A_520 : vector<1x128x512xf32> to vector<128x512xf32>
    %mul3A_522 = vector.broadcast %slice3A_516 : vector<128x1xf32> to vector<128x512xf32>
    %mul3A_523 = arith.mulf %mul3A_522, %get3A_521 : vector<128x512xf32>
    %dot_general3A_524 = arith.constant dense<0.000000e+00> : vector<128x512xf32>
    %dot_general3A_525 = tpu.matmul %select_n3A_515, %mul3A_523, %dot_general3A_524 {dimension_numbers = #tpu.dot_dimension_numbers<[1], [0], [0], [1], [0, 0, 1, 1], [], []>, transpose_lhs_hint = false} : vector<128x128xf32>, vector<128x512xf32>, vector<128x512xf32> -> vector<128x512xf32>
    %slice3A_526 = vector.extract_strided_slice %exp3A {offsets = [0, 15], sizes = [128, 1], strides = [1, 1]} : vector<128x16xf32> to vector<128x1xf32>
    %mul3A_527 = vector.broadcast %slice3A_526 : vector<128x1xf32> to vector<128x512xf32>
    %mul3A_528 = vector.broadcast %slice3A_505 : vector<1x512xf32> to vector<128x512xf32>
    %mul3A_529 = arith.mulf %mul3A_527, %mul3A_528 : vector<128x512xf32>
    %add3A_530 = arith.addf %dot_general3A_525, %mul3A_529 : vector<128x512xf32>
    %swap3A_531 = arith.constant 0 : index
    %swap3A_532 = arith.constant 1920 : index
    %swap3A_533 = arith.constant 0 : index
    %swap3A_534 = vector.load %arg5[%swap3A_531, %swap3A_532, %swap3A_533] : memref<1x2048x512xf32, #tpu.memory_space<vmem>>, vector<1x128x512xf32>
    %swap3A_535 = vector.shape_cast %swap3A_534 : vector<1x128x512xf32> to vector<128x512xf32>
    %swap3A_536 = vector.shape_cast %add3A_530 : vector<128x512xf32> to vector<1x128x512xf32>
    tpu.vector_store %arg5[%swap3A_531, %swap3A_532, %swap3A_533], %swap3A_536 {strides = array<i32>} : memref<1x2048x512xf32, #tpu.memory_space<vmem>>, vector<1x128x512xf32>,
    %iota3A_537 = tpu.iota {dimensions = array<i32: 0>} : vector<512x512xi32>
    %iota3A_538 = tpu.iota {dimensions = array<i32: 1>} : vector<512x512xi32>
    %le3A_539 = arith.cmpi sle, %iota3A_537, %iota3A_538 : vector<512x512xi32>
    %convert_element_type3A_540 = arith.extui %le3A_539 : vector<512x512xi1> to vector<512x512xi32>
    %convert_element_type3A_541 = arith.sitofp %convert_element_type3A_540 : vector<512x512xi32> to vector<512x512xf32>
    %iota3A_542 = tpu.iota {dimensions = array<i32: 0>} : vector<8x8xi32>
    %iota3A_543 = tpu.iota {dimensions = array<i32: 1>} : vector<8x8xi32>
    %gt3A_544 = arith.cmpi sgt, %iota3A_542, %iota3A_543 : vector<8x8xi32>
    %convert_element_type3A_545 = arith.extui %gt3A_544 : vector<8x8xi1> to vector<8x8xi32>
    %convert_element_type3A_546 = arith.sitofp %convert_element_type3A_545 : vector<8x8xi32> to vector<8x8xf32>
    %get3A_547 = arith.constant 0 : index
    %get3A_548 = arith.constant 0 : index
    %get3A_549 = arith.constant 0 : index
    %get3A_550 = vector.load %arg4[%get3A_547, %get3A_548, %get3A_549] : memref<1x8x512xf32, #tpu.memory_space<vmem>>, vector<1x8x512xf32>
    %get3A_551 = vector.shape_cast %get3A_550 : vector<1x8x512xf32> to vector<8x512xf32>
    %dot_general3A_552 = arith.constant dense<0.000000e+00> : vector<8x512xf32>
    %dot_general3A_553 = tpu.matmul %get3A_551, %convert_element_type3A_541, %dot_general3A_552 {dimension_numbers = #tpu.dot_dimension_numbers<[1], [0], [0], [1], [0, 0, 1, 1], [], []>, transpose_lhs_hint = false} : vector<8x512xf32>, vector<512x512xf32>, vector<8x512xf32> -> vector<8x512xf32>
    %slice3A_554 = vector.extract_strided_slice %dot_general3A_553 {offsets = [0, 511], sizes = [8, 1], strides = [1, 1]} : vector<8x512xf32> to vector<8x1xf32>
    %dot_general3A_555 = arith.constant dense<0.000000e+00> : vector<8x1xf32>
    %dot_general3A_556 = tpu.matmul %convert_element_type3A_546, %slice3A_554, %dot_general3A_555 {dimension_numbers = #tpu.dot_dimension_numbers<[1], [0], [0], [1], [0, 0, 1, 1], [], []>, precision = #tpu.contract_precision<fp32>, transpose_lhs_hint = false} : vector<8x8xf32>, vector<8x1xf32>, vector<8x1xf32> -> vector<8x1xf32>
    %add3A_557 = vector.broadcast %dot_general3A_556 : vector<8x1xf32> to vector<8x512xf32>
    %add3A_558 = arith.addf %dot_general3A_553, %add3A_557 : vector<8x512xf32>
    %sub3A_559 = arith.constant 1.000000e+00 : f32
    %sub3A_560 = vector.broadcast %sub3A_559 : f32 to vector<8x512xf32>
    %sub3A_561 = arith.subf %add3A_558, %sub3A_560 : vector<8x512xf32>
    %jit3A_562 = arith.constant 0.000000e+00 : f32
    %jit3A_563 = arith.constant 2.047000e+03 : f32
    %max3A_564 = vector.broadcast %jit3A_562 : f32 to vector<8x512xf32>
    %max3A_565 = arith.maximumf %max3A_564, %sub3A_561 : vector<8x512xf32>
    %min3A_566 = vector.broadcast %jit3A_563 : f32 to vector<8x512xf32>
    %min3A_567 = arith.minimumf %min3A_566, %max3A_565 : vector<8x512xf32>
    %convert_element_type3A_568 = arith.fptosi %min3A_567 : vector<8x512xf32> to vector<8x512xi32>
    %mul3A_569 = arith.constant 2048 : i32
    %mul3A_570 = arith.muli %arg0, %mul3A_569 : i32
    %add3A_571 = vector.broadcast %mul3A_570 : i32 to vector<8x512xi32>
    %add3A_572 = arith.addi %convert_element_type3A_568, %add3A_571 : vector<8x512xi32>
    %swap3A_573 = arith.constant 0 : index
    %swap3A_574 = arith.constant 0 : index
    %swap3A_575 = arith.constant 0 : index
    %swap3A_576 = vector.load %arg6[%swap3A_573, %swap3A_574, %swap3A_575] : memref<1x8x512xi32, #tpu.memory_space<vmem>>, vector<1x8x512xi32>
    %swap3A_577 = vector.shape_cast %swap3A_576 : vector<1x8x512xi32> to vector<8x512xi32>
    %swap3A_578 = vector.shape_cast %add3A_572 : vector<8x512xi32> to vector<1x8x512xi32>
    tpu.vector_store %arg6[%swap3A_573, %swap3A_574, %swap3A_575], %swap3A_578 {strides = array<i32>} : memref<1x8x512xi32, #tpu.memory_space<vmem>>, vector<1x8x512xi32>,
    return
  }
  func.func @transform_0(%arg0: i32) -> (i32, i32, i32) {
    %c0_i32 = arith.constant 0 : i32
    %c0_i32_0 = arith.constant 0 : i32
    %c0_i32_1 = arith.constant 0 : i32
    return %arg0, %c0_i32, %c0_i32_0 : i32, i32, i32
  }
  func.func @transform_1(%arg0: i32) -> (i32, i32, i32) {
    %c0_i32 = arith.constant 0 : i32
    %c0_i32_0 = arith.constant 0 : i32
    %c0_i32_1 = arith.constant 0 : i32
    return %arg0, %c0_i32, %c0_i32_0 : i32, i32, i32
  }
  func.func @transform_2(%arg0: i32) -> (i32, i32, i32) {
    %c0_i32 = arith.constant 0 : i32
    %c0_i32_0 = arith.constant 0 : i32
    %c0_i32_1 = arith.constant 0 : i32
    return %arg0, %c0_i32, %c0_i32_0 : i32, i32, i32
  }
  func.func @transform_3(%arg0: i32) -> (i32, i32, i32) {
    %c0_i32 = arith.constant 0 : i32
    %c0_i32_0 = arith.constant 0 : i32
    %c0_i32_1 = arith.constant 0 : i32
    return %arg0, %c0_i32, %c0_i32_0 : i32, i32, i32
  }
  func.func @transform_4(%arg0: i32) -> (i32, i32, i32) {
    %c0_i32 = arith.constant 0 : i32
    %c0_i32_0 = arith.constant 0 : i32
    %c0_i32_1 = arith.constant 0 : i32
    return %arg0, %c0_i32, %c0_i32_0 : i32, i32, i32
  }
  func.func @transform_5(%arg0: i32) -> (i32, i32, i32) {
    %c0_i32 = arith.constant 0 : i32
    %c0_i32_0 = arith.constant 0 : i32
    %c0_i32_1 = arith.constant 0 : i32
    return %arg0, %c0_i32, %c0_i32_0 : i32, i32, i32
  }
}

</mosaic_0001>

<sc_bundles>
// kernel: kernel.4.cloned.1.call-start
scs
__scs_entry_jumppad:
0x0: {  	(pc) =	sbr.rel $0x88, $3  }
0x1: {  	(tag) =	ssettag $0x0;
	lr =	simm.s32 $0x1  }
0x2: {  	[smem:$0x3F9D] =	sst lr;
	_ =	strace $0xD0000000  }
0x3: {  	_ = 	snop  }
0x4: {  	_ = 	snop  }
0x5: {  	_ = 	snop  }
0x6: {  	_ = 	snop  }
0x7: {  	_ = 	snop  }
__scs_overlays_trampoline_lowered:
0x8: {  	[smem:$0x3FAC] =	sst s0  }
0x9: {  	[smem:$0x3FAD] =	sst s1  }
0xa: {  	[smem:$0x3FAE] =	sst s2  }
0xb: {  	[smem:$0x3FAF] =	sst s3  }
0xc: {  	[smem:$0x3FB0] =	sst s4  }
0xd: {  	[smem:$0x3FB1] =	sst s5  }
0xe: {  	[smem:$0x3FB2] =	sst s6  }
0xf: {  	[smem:$0x3FB3] =	sst s7  }
0x10: {  	[smem:$0x3FB4] =	sst s8  }
0x11: {  	[smem:$0x3FB5] =	sst s9;
	s0 =	simm.s32 @!p0 $0x0  }
0x12: {  	s1 =	sld [smem:$0x3F9B];
	s0 =	simm.s32 @p0 $0x1  }
0x13: {  	[smem:$0x3FB6] =	sst s0;
	s0 =	simm.s32 @!p1 $0x0  }
0x14: {  	s2 =	sld [smem:$0x3F9A];
	s0 =	simm.s32 @p1 $0x1  }
0x15: {  	[smem:$0x3FB7] =	sst s0;
	s0 =	simm.s32 @!p2 $0x0  }
0x16: {  	s3 =	sld [smem:$0x3FDB];
	s0 =	simm.s32 @p2 $0x1  }
0x17: {  	s4 =	simm.s32 $0x1BF5;
	[smem:$0x3FB9] =	sst s0  }
0x18: {  	s0 =	sld [smem:$0x3F9C];
	_ =	swait.ge [sflag:s4], $0x0  }
0x19: {  	s7 =	sld [smem:$0x3F9D]  }
0x1a: {  	s8 =	sadd.s32 $0xFFFFE003, lr  }
0x1b: {  	s9 =	sadd.s32 $0xFFFFFEF7, lr;
	s5 =	simm.s32 $0xFFFFFFFF;
	p2 =	slt.u32 s8, $0xFFFFF086  }
0x1c: {  	p1 =	slt.u32 s9, $0xF7A;
	s5 =	simm.s32 @!p2 $0x0  }
0x1d: {  	s5 =	simm.s32 @p1 $0x1;
	p0 =	seq.s32 s7, s2  }
0x1e: {  	s7 =	smul.u32 @!p0 $0xF7A, s2;
	p2 =	seq.s32 @!p0 s5, $0x0  }
0x1f: {  	s9 =	smul.u32 $0xF7A, s1;
	s8 =	simm.s32 @!p0 $0x1BF5;
	p2 =	por !p2, p0  }
0x20: {  	[sflag:s8] =	ssyncset.s32 @!p0 $0xFFFFF086;
	s6 =	sadd.s32 @!p0 s3, s7;
	s7 =	simm.s32 @!p0 $0x108  }
0x21: {  	s3 =	sadd.s32 s3, s9;
	s6 =	sadd.s32 @!p0 $0x88, s6;
	s7 =	simm.s32 @p2 $0x1082  }
0x22: {  	[simem:s7], [sflag:s8] =	dma.local @!p0 [hbm:s6], $0xF7A  }
0x23: {  	s9 =	sor.u32 $0xD0000000, s2;
	s6 =	simm.s32 $0x108;
	_ =	swait.ge @!p0 [sflag:s8], $0x0  }
0x24: {  	s3 =	sadd.s32 $0x88, s3;
	s6 =	simm.s32 @!p1 $0x1082;
	[sflag:s4] =	ssyncset.s32 $0xFFFFF086  }
0x25: {  	[simem:s6], [sflag:s4] =	dma.local [hbm:s3], $0xF7A  }
0x26: {  	[smem:$0x3F9D] =	sst s1;
	(tag) =	ssettag s2;
	_ =	strace s9  }
0x27: {  	s1 =	sld [smem:$0x3FAD]  }
0x28: {  	s2 =	sld [smem:$0x3FAE]  }
0x29: {  	s4 =	sld [smem:$0x3FB0]  }
0x2a: {  	p0 =	seq.s32 s5, $0x0;
	s5 =	sld [smem:$0x3FB1]  }
0x2b: {  	s6 =	sld [smem:$0x3FB2]  }
0x2c: {  	s7 =	sld [smem:$0x3FB3]  }
0x2d: {  	s3 =	simm.s32 $0x108;
	s8 =	sld [smem:$0x3FB4]  }
0x2e: {  	s3 =	simm.s32 @!p0 $0x1082;
	s9 =	sld [smem:$0x3FB5]  }
0x2f: {  	lr =	sadd.s32 s0, s3;
	s0 =	sld [smem:$0x3FAC]  }
0x30: {  	s3 =	sld [smem:$0x3FAF]  }
0x31: {  	[smem:$0x3FB8] =	sst s10  }
0x32: {  	s10 =	sld [smem:$0x3FB6];
	_ =	sdelay $0x3  }
0x33: {  	p0 =	seq.s32 s10, $0x1;
	s10 =	sld [smem:$0x3FB8];
	_ =	sdelay $0x3  }
0x34: {  	[smem:$0x3FB8] =	sst s10  }
0x35: {  	s10 =	sld [smem:$0x3FB7];
	_ =	sdelay $0x3  }
0x36: {  	p1 =	seq.s32 s10, $0x1;
	s10 =	sld [smem:$0x3FB8];
	_ =	sdelay $0x3  }
0x37: {  	[smem:$0x3FB8] =	sst s10  }
0x38: {  	s10 =	sld [smem:$0x3FB9]  }
0x39: {  	_ = 	snop;
	(pc) =	sbr.ind lr, $3  }
0x3a: {  	_ = 	snop  }
0x3b: {  	_ = 	snop  }
0x3c: {  	p2 =	seq.s32 s10, $0x1;
	s10 =	sld [smem:$0x3FB8]  }
0x3d: {  	_ =	shalt  }
0x3e: {  	_ =	shalt  }
0x3f: {  	_ =	shalt  }
0x40: {  	_ =	shalt  }
0x41: {  	_ =	shalt  }
0x42: {  	_ =	shalt  }
0x43: {  	_ =	shalt  }
0x44: {  	_ =	shalt  }
0x45: {  	_ =	shalt  }
0x46: {  	_ =	shalt  }
0x47: {  	_ =	shalt  }
0x48: {  	_ =	shalt  }
0x49: {  	_ =	shalt  }
0x4a: {  	_ =	shalt  }
0x4b: {  	_ =	shalt  }
0x4c: {  	_ =	shalt  }
0x4d: {  	_ =	shalt  }
0x4e: {  	_ =	shalt  }
0x4f: {  	_ =	shalt  }
0x50: {  	_ =	shalt  }
0x51: {  	_ =	shalt  }
0x52: {  	_ =	shalt  }
0x53: {  	_ =	shalt  }
0x54: {  	_ =	shalt  }
0x55: {  	_ =	shalt  }
0x56: {  	_ =	shalt  }
0x57: {  	_ =	shalt  }
0x58: {  	_ =	shalt  }
0x59: {  	_ =	shalt  }
0x5a: {  	_ =	shalt  }
0x5b: {  	_ =	shalt  }
0x5c: {  	_ =	shalt  }
0x5d: {  	_ =	shalt  }
0x5e: {  	_ =	shalt  }
0x5f: {  	_ =	shalt  }
0x60: {  	_ =	shalt  }
0x61: {  	_ =	shalt  }
0x62: {  	_ =	shalt  }
0x63: {  	_ =	shalt  }
0x64: {  	_ =	shalt  }
0x65: {  	_ =	shalt  }
0x66: {  	_ =	shalt  }
0x67: {  	_ =	shalt  }
0x68: {  	_ =	shalt  }
0x69: {  	_ =	shalt  }
0x6a: {  	_ =	shalt  }
0x6b: {  	_ =	shalt  }
0x6c: {  	_ =	shalt  }
0x6d: {  	_ =	shalt  }
0x6e: {  	_ =	shalt  }
0x6f: {  	_ =	shalt  }
0x70: {  	_ =	shalt  }
0x71: {  	_ =	shalt  }
0x72: {  	_ =	shalt  }
0x73: {  	_ =	shalt  }
0x74: {  	_ =	shalt  }
0x75: {  	_ =	shalt  }
0x76: {  	_ =	shalt  }
0x77: {  	_ =	shalt  }
0x78: {  	_ =	shalt  }
0x79: {  	_ =	shalt  }
0x7a: {  	_ =	shalt  }
0x7b: {  	_ =	shalt  }
0x7c: {  	_ =	shalt  }
0x7d: {  	_ =	shalt  }
0x7e: {  	_ =	shalt  }
0x7f: {  	_ =	shalt  }
0x80: {  	_ =	shalt  }
0x81: {  	_ =	shalt  }
0x82: {  	_ =	shalt  }
0x83: {  	_ =	shalt  }
0x84: {  	_ =	shalt  }
0x85: {  	_ =	shalt  }
0x86: {  	_ =	shalt  }
0x87: {  	_ =	shalt  }
.Lfunc_end0:
.L_simem_size_0:
called_computation_lowered:
.L_overlay_start_0:
0x88: {  	s2 =	sld [smem:$0x3FD9]  }
0x89: {  	s3 =	sld [smem:$0x3FFE];
	_ =	sdelay $0x1  }
0x8a: {  	s1 =	srdreg.scid  }
0x8b: {  	s0 =	sand.u32 $0x1, s1  }
0x8c: {  	s17 =	sshll.u32 s0, $0xA;
	s2 =	sadd.s32 s3, s2  }
0x8d: {  	s2 =	sadd.s32 s2, s17  }
0x8e: {  	[smem:$0x3FC4] =	sst s2  }
0x8f: {  	_ = 	snop  }
0x90: {  	s2 =	sld [smem:$0x3FD0];
	(tm) =	ssettm $0x1  }
0x91: {  	s18 =	sld [smem:$0x3FFB];
	_ =	sdelay $0x3  }
0x92: {  	_ =	strace s18  }
0x93: {  	s3 =	sld [smem:$0x3FFC];
	_ =	sdelay $0x3  }
0x94: {  	_ =	strace s3  }
0x95: {  	s3 =	sld [smem:$0x3FFD];
	_ =	sdelay $0x3  }
0x96: {  	_ =	strace s3  }
0x97: {  	_ =	strace $0x8FFFFFFF  }
0x98: {  	s19 =	sld [smem:$0x3FDB];
	_ =	sdelay $0x1  }
0x99: {  	s4 =	simm.s32 $_scs_section_size  }
0x9a: {  	s5 =	simm.s32 $_size__tile_overlayer_lowered;
	s6 =	simm.s32 $_tile_overlayer_lowered  }
0x9b: {  	s22 =	simm.s32 $0x1BFF;
	s21 =	sshll.u32 s6, $0x1;
	s3 =	sadd.s32 s4, s19  }
0x9c: {  	s7 =	simm.s32 $0x0;
	s20 =	sshll.u32 s5, $0x1;
	s5 =	sadd.s32 s21, s3  }
0x9d: {  	[timem:s7], [sflag:s22] =	dma.local [hbm:s5], s20  }
0x9e: {  	_ =	swait.ge [sflag:s22], s20  }
0x9f: {  	s4 =	ssub.s32 $0x0, s20;
	[sflag:s22] =	ssyncset.done $0x0  }
0xa0: {  	[sflag:s22] =	ssyncadd.s32 s4;
	_ =	sdelay $0x1  }
0xa1: {  	s23 =	simm.s32 $0x1B8B  }
0xa2: {  	_ =	swait.ge [sflag:s23], $0x1  }
0xa3: {  	[sflag:s23] =	ssyncset.done $0x0  }
0xa4: {  	s25 =	simm.s32 $0x1B8E;
	s24 =	sld [smem:$0x3FFE];
	[sflag:s23] =	ssyncadd.s32 $0xFFFFFFFF  }
0xa5: {  	s26 =	simm.s32 $execute0_lowered;
	[smem:$0x3FD2] =	sst s25  }
0xa6: {  	s5 =	sshll.u32 s26, $0x1;
	_ =	strace $0x80000046;
	[dreg:$0x1] =	wrdreg $0xFFFFFFFF  }
0xa7: {  	s28 =	simm.s32 $_size_execute0_lowered;
	s3 =	sadd.s32 s3, s5;
	[dreg:$0x0] =	wrdreg $0x0  }
0xa8: {  	s5 =	sshll.u32 s28, $0x1;
	[dreg:$0x2] =	wrdreg s3  }
0xa9: {  	[dreg:$0x3] =	wrdreg s5  }
0xaa: {  	[dreg:$0x4] =	wrdreg $0xC0  }
0xab: {  	_ =	task [dreg:s7], $0x5FFFF  }
0xac: {  	[dreg:$0x1] =	wrdreg $0xFFFFFFFF  }
0xad: {  	[dreg:$0x0] =	wrdreg $0x60  }
0xae: {  	[dreg:$0x2] =	wrdreg s24  }
0xaf: {  	[dreg:$0x3] =	wrdreg s2  }
0xb0: {  	[dreg:$0x4] =	wrdreg $0x9  }
0xb1: {  	_ =	task.clear_ibuf [dreg:s7], $0x5FFFF;
	_ =	strace $0x90000046  }
0xb2: {  	s29 =	simm.s32 $0x9;
	_ =	strace $0x80000048  }
0xb3: {  	_ =	swait.ge [sflag:s29], $0x1  }
0xb4: {  	[sflag:s29] =	ssyncadd.s32 $0xFFFFFFFF  }
0xb5: {  	_ =	strace $0x90000048  }
0xb6: {  	_ =	sfence  }
0xb7: {  	s30 =	sld [smem:$0x0];
	_ =	sdelay $0x2  }
0xb8: {  	s31 =	sshll.u32 s1, $0xD;
	s1 =	sshrl.u32 s1, $0x2  }
0xb9: {  	s3 =	sand.u32 $0x4000, s31;
	s1 =	sadd.s32 s1, s30  }
0xba: {  	s0 =	sor.u32 s3, s0;
	s1 =	sshll.u32 s1, $0x11  }
0xbb: {  	s0 =	sor.u32 s1, s0  }
0xbc: {  	s0 =	sadd.s32 $0x8F2B, s0  }
0xbd: {  	[sflag:s0] =	ssyncadd.remote.s32 $0x1  }
0xbe: {  	_ =	sfence.sel $0xFFFF  }
0xbf: {  	[dreg:$0x0] =	wrdreg $0xFFFFFFFF;
	(pc) =	sbr.abs _section_cstart, $3  }
0xc0: {  	[dreg:$0x1] =	wrdreg $0xFFFFFFFF  }
0xc1: {  	_ =	task.clear_ibuf [dreg:s7], $0x2FFFF;
	_ =	strace $0x9FFFFFFF  }
0xc2: {  	(tm) =	ssettm $0x7FFFFFFF  }
0xc3: {  	_ =	shalt  }
tec
execute0_lowered:
.L_overlay_start_1:
0x0: {  	(tag) =	ssettag $0x1  }
0x1: {  	s0 =	rddreg [dreg:$0x0]  }
0x2: {  	s1 =	rddreg [dreg:$0x1];
	s2 =	simm.s32 $0x0;
	s3 =	srdreg.scid  }
0x3: {  	s6 =	stileid.u32;
	s13 =	simm.s32 $0xC00;
	s14 =	simm.s32 $0x1400  }
0x4: {  	s15 =	simm.s32 $0x1C00;
	s16 =	simm.s32 $0x2400;
	s17 =	simm.s32 $0x2C00  }
0x5: {  	s19 =	simm.s32 $0x3400;
	s20 =	simm.s32 $0x3C00;
	[smem:$0x7FF] =	sst s2  }
0x6: {  	s22 =	simm.s32 $0x4400;
	_ =	strace $0x80000047;
	[dreg:$0x4] =	wrdreg s13  }
0x7: {  	s23 =	simm.s32 $0x4C00;
	s25 =	simm.s32 $0x5400;
	[dreg:$0x5] =	wrdreg s14  }
0x8: {  	s7 =	simm.s32 $0x2;
	s26 =	simm.s32 $0x5C00;
	[dreg:$0x6] =	wrdreg s15  }
0x9: {  	s8 =	simm.s32 $0x400;
	s9 =	simm.s32 $0x6400;
	[dreg:$0x7] =	wrdreg s16  }
0xa: {  	s10 =	simm.s32 $0x6C00;
	s28 =	simm.s32 $0xF400;
	[dreg:$0x8] =	wrdreg s17  }
0xb: {  	s29 =	simm.s32 $0xFC00;
	s30 =	simm.s32 $0x1;
	[dreg:$0x9] =	wrdreg s19  }
0xc: {  	s31 =	simm.s32 $0x0;
	s4 =	sand.u32 $0x1, s3;
	[dreg:$0xa] =	wrdreg s20  }
0xd: {  	s11 =	sshll.u32 s6, $0x11;
	s3 =	sadd.s32 $0x800, s0;
	[dreg:$0xb] =	wrdreg s22  }
0xe: {  	s6 =	sshll.u32 s6, $0xB;
	s1 =	sadd.s32 s11, s1;
	[dreg:$0xc] =	wrdreg s23  }
0xf: {  	s5 =	sshll.u32 s4, $0x10;
	s12 =	sshll.u32 s4, $0xA;
	[dreg:$0xd] =	wrdreg s25  }
0x10: {  	s4 =	ssub.s32 $0x2, s4;
	[dreg:$0xe] =	wrdreg s26;
	s11 =	simm.s32 $0x7400  }
0x11: {  	s13 =	simm.s32 $0x8400;
	s14 =	simm.s32 $0x8C00;
	s15 =	simm.s32 $0x9400  }
0x12: {  	s16 =	simm.s32 $0x9C00;
	s17 =	simm.s32 $0xA400;
	s19 =	simm.s32 $0xB400  }
0x13: {  	s20 =	simm.s32 $0xBC00;
	s22 =	simm.s32 $0xCC00;
	s23 =	simm.s32 $0xD400  }
0x14: {  	s25 =	simm.s32 $0xE400;
	s26 =	simm.s32 $0xEC00;
	s1 =	sadd.s32 s5, s1  }
0x15: {  	s5 =	sor.u32 s12, s6;
	s18 =	sshrl.u32 s4, $0x1;
	s12 =	simm.s32 $0x7C00  }
0x16: {  	[dreg:$0x3] =	wrdreg s1;
	s5 =	sshrl.u32 s5, $0x3;
	s6 =	ssub.s32 s4, s18  }
0x17: {  	v2 =	vlaneseq.u32;
	s18 =	simm.s32 $0xAC00;
	s5 =	sadd.s32 s5, s0;
	s24 =	smax.u32 s6, $0x1  }
0x18: {  	vm0 =	vmmov $0xffff;
	v1 =	vshrl.u32 v2, $0x3;
	s21 =	sadd.s32 $0x100800, s5;
	s5 =	sadd.s32 $0x900, s0;
	[dreg:$0x10] =	wrdreg s24  }
0x19: {  	v0 =	vand.u32 $0x7, v2;
	v2 =	vor.u32 $0x8, v2;
	v1 =	vmul.u32 $0x8, v1;
	s24 =	simm.s32 $0xDC00;
	[dreg:$0xf] =	wrdreg s21;
	s21 =	simm.s32 $0xC400  }
.LBB2_1:
0x1a: {  	s0 =	rddreg [dreg:$0xf]  }
0x1b: {  	[tilespmem:s2], [sflag:$0x2] =	stream.linear.gather [hbm4b:s0+s2], $0x400, $0x38;
	[tilespmem:$0x10400] =	vst v63  }
0x1c: {  	_ =	swait.ge [sflag:s7], $0x400  }
0x1d: {  	[sflag:s7] =	ssyncset.done $0x0  }
0x1e: {  	s1 =	simm.s32 $0x0;
	s0 =	simm.s32 $0x40;
	[sflag:s7] =	ssyncadd.s32 $0xFFFFFC00  }
.LBB2_2:
0x1f: {  	v3 =	vld [tilespmem:s0+$0xFFFFFFC0];
	_ =	sdelay $0x4  }
0x20: {  	v4 =	vshll.u32 v3, $0x2  }
0x21: {  	v3 =	vand.u32 $0x7, v3;
	v4 =	vand.u32 $0xFFFFFFE0, v4  }
0x22: {  	v3 =	vor.u32 v3, v4  }
0x23: {  	v4 =	vperm.xlane v3, v0;
	_ =	sdelay $0x1  }
0x24: {  	v4 =	vadd.s32 v1, v4;
	_ =	sdelay $0x1  }
0x25: {  	v3 =	vperm.xlane v3, v2;
	_ =	sdelay $0x1  }
0x26: {  	v3 =	vadd.s32 v1, v3  }
0x27: {  	[tilespmem:s8], [sflag:$0x1] =	stream.indirect_vreg.gather [hbm4b:s3+s2], $0x80, v4, vm0, $0xb8;
	[tilespmem:$0x10400] =	vst v63  }
0x28: {  	s4 =	rddreg [dreg:$0x4]  }
0x29: {  	[tilespmem:s4], [sflag:$0x1] =	stream.indirect_vreg.gather [hbm4b:s5+s2], $0x80, v4, vm0, $0xb8;
	[tilespmem:$0x10400] =	vst v63  }
0x2a: {  	s6 =	rddreg [dreg:$0x5]  }
0x2b: {  	[tilespmem:s6], [sflag:$0x1] =	stream.indirect_vreg.gather [hbm4b:s3+s2], $0x80, v3, vm0, $0xb8;
	[tilespmem:$0x10400] =	vst v63  }
0x2c: {  	s4 =	rddreg [dreg:$0x6]  }
0x2d: {  	[tilespmem:s4], [sflag:$0x1] =	stream.indirect_vreg.gather [hbm4b:s5+s2], $0x80, v3, vm0, $0xb8;
	[tilespmem:$0x10400] =	vst v63  }
0x2e: {  	v3 =	vld [tilespmem:s0+$0xFFFFFFD0];
	_ =	sdelay $0x4  }
0x2f: {  	v57 =	vshll.u32 v3, $0x2  }
0x30: {  	v3 =	vand.u32 $0x7, v3;
	v4 =	vand.u32 $0xFFFFFFE0, v57  }
0x31: {  	v3 =	vor.u32 v3, v4  }
0x32: {  	v4 =	vperm.xlane v3, v0;
	_ =	sdelay $0x1  }
0x33: {  	v4 =	vadd.s32 v1, v4;
	_ =	sdelay $0x1  }
0x34: {  	v3 =	vperm.xlane v3, v2;
	_ =	sdelay $0x1  }
0x35: {  	s4 =	rddreg [dreg:$0x7];
	v3 =	vadd.s32 v1, v3  }
0x36: {  	[tilespmem:s4], [sflag:$0x1] =	stream.indirect_vreg.gather [hbm4b:s3+s2], $0x80, v4, vm0, $0xb8;
	[tilespmem:$0x10400] =	vst v63  }
0x37: {  	s6 =	rddreg [dreg:$0x8]  }
0x38: {  	[tilespmem:s6], [sflag:$0x1] =	stream.indirect_vreg.gather [hbm4b:s5+s2], $0x80, v4, vm0, $0xb8;
	[tilespmem:$0x10400] =	vst v63  }
0x39: {  	s4 =	rddreg [dreg:$0x9]  }
0x3a: {  	[tilespmem:s4], [sflag:$0x1] =	stream.indirect_vreg.gather [hbm4b:s3+s2], $0x80, v3, vm0, $0xb8;
	[tilespmem:$0x10400] =	vst v63  }
0x3b: {  	s6 =	rddreg [dreg:$0xa]  }
0x3c: {  	[tilespmem:s6], [sflag:$0x1] =	stream.indirect_vreg.gather [hbm4b:s5+s2], $0x80, v3, vm0, $0xb8;
	[tilespmem:$0x10400] =	vst v63  }
0x3d: {  	v3 =	vld [tilespmem:s0+$0xFFFFFFE0];
	_ =	sdelay $0x4  }
0x3e: {  	v58 =	vshll.u32 v3, $0x2  }
0x3f: {  	v3 =	vand.u32 $0x7, v3;
	v4 =	vand.u32 $0xFFFFFFE0, v58  }
0x40: {  	v3 =	vor.u32 v3, v4  }
0x41: {  	v4 =	vperm.xlane v3, v0;
	_ =	sdelay $0x1  }
0x42: {  	v4 =	vadd.s32 v1, v4;
	_ =	sdelay $0x1  }
0x43: {  	v3 =	vperm.xlane v3, v2;
	_ =	sdelay $0x1  }
0x44: {  	s4 =	rddreg [dreg:$0xb];
	v3 =	vadd.s32 v1, v3  }
0x45: {  	[tilespmem:s4], [sflag:$0x1] =	stream.indirect_vreg.gather [hbm4b:s3+s2], $0x80, v4, vm0, $0xb8;
	[tilespmem:$0x10400] =	vst v63  }
0x46: {  	s6 =	rddreg [dreg:$0xc]  }
0x47: {  	[tilespmem:s6], [sflag:$0x1] =	stream.indirect_vreg.gather [hbm4b:s5+s2], $0x80, v4, vm0, $0xb8;
	[tilespmem:$0x10400] =	vst v63  }
0x48: {  	s4 =	rddreg [dreg:$0xd]  }
0x49: {  	[tilespmem:s4], [sflag:$0x1] =	stream.indirect_vreg.gather [hbm4b:s3+s2], $0x80, v3, vm0, $0xb8;
	[tilespmem:$0x10400] =	vst v63  }
0x4a: {  	s6 =	rddreg [dreg:$0xe]  }
0x4b: {  	[tilespmem:s6], [sflag:$0x1] =	stream.indirect_vreg.gather [hbm4b:s5+s2], $0x80, v3, vm0, $0xb8;
	[tilespmem:$0x10400] =	vst v63  }
0x4c: {  	v3 =	vld [tilespmem:s0+$0xFFFFFFF0];
	_ =	sdelay $0x4  }
0x4d: {  	v59 =	vshll.u32 v3, $0x2  }
0x4e: {  	v3 =	vand.u32 $0x7, v3;
	v4 =	vand.u32 $0xFFFFFFE0, v59  }
0x4f: {  	v3 =	vor.u32 v3, v4  }
0x50: {  	v4 =	vperm.xlane v3, v0;
	_ =	sdelay $0x1  }
0x51: {  	v4 =	vadd.s32 v1, v4;
	_ =	sdelay $0x1  }
0x52: {  	v3 =	vperm.xlane v3, v2;
	_ =	sdelay $0x1  }
0x53: {  	v3 =	vadd.s32 v1, v3  }
0x54: {  	[tilespmem:s9], [sflag:$0x1] =	stream.indirect_vreg.gather [hbm4b:s3+s2], $0x80, v4, vm0, $0xb8;
	[tilespmem:$0x10400] =	vst v63  }
0x55: {  	_ = 	snop  }
0x56: {  	[tilespmem:s10], [sflag:$0x1] =	stream.indirect_vreg.gather [hbm4b:s5+s2], $0x80, v4, vm0, $0xb8;
	[tilespmem:$0x10400] =	vst v63  }
0x57: {  	_ = 	snop  }
0x58: {  	[tilespmem:s11], [sflag:$0x1] =	stream.indirect_vreg.gather [hbm4b:s3+s2], $0x80, v3, vm0, $0xb8;
	[tilespmem:$0x10400] =	vst v63  }
0x59: {  	_ = 	snop  }
0x5a: {  	[tilespmem:s12], [sflag:$0x1] =	stream.indirect_vreg.gather [hbm4b:s5+s2], $0x80, v3, vm0, $0xb8;
	[tilespmem:$0x10400] =	vst v63  }
0x5b: {  	v3 =	vld [tilespmem:s0+$0x0];
	_ =	sdelay $0x4  }
0x5c: {  	v60 =	vshll.u32 v3, $0x2  }
0x5d: {  	v3 =	vand.u32 $0x7, v3;
	v4 =	vand.u32 $0xFFFFFFE0, v60  }
0x5e: {  	v3 =	vor.u32 v3, v4  }
0x5f: {  	v4 =	vperm.xlane v3, v0;
	_ =	sdelay $0x1  }
0x60: {  	v4 =	vadd.s32 v1, v4;
	_ =	sdelay $0x1  }
0x61: {  	v3 =	vperm.xlane v3, v2;
	_ =	sdelay $0x1  }
0x62: {  	v3 =	vadd.s32 v1, v3  }
0x63: {  	[tilespmem:s13], [sflag:$0x1] =	stream.indirect_vreg.gather [hbm4b:s3+s2], $0x80, v4, vm0, $0xb8;
	[tilespmem:$0x10400] =	vst v63  }
0x64: {  	_ = 	snop  }
0x65: {  	[tilespmem:s14], [sflag:$0x1] =	stream.indirect_vreg.gather [hbm4b:s5+s2], $0x80, v4, vm0, $0xb8;
	[tilespmem:$0x10400] =	vst v63  }
0x66: {  	_ = 	snop  }
0x67: {  	[tilespmem:s15], [sflag:$0x1] =	stream.indirect_vreg.gather [hbm4b:s3+s2], $0x80, v3, vm0, $0xb8;
	[tilespmem:$0x10400] =	vst v63  }
0x68: {  	_ = 	snop  }
0x69: {  	[tilespmem:s16], [sflag:$0x1] =	stream.indirect_vreg.gather [hbm4b:s5+s2], $0x80, v3, vm0, $0xb8;
	[tilespmem:$0x10400] =	vst v63  }
0x6a: {  	v3 =	vld [tilespmem:s0+$0x10];
	_ =	sdelay $0x4  }
0x6b: {  	v61 =	vshll.u32 v3, $0x2  }
0x6c: {  	v3 =	vand.u32 $0x7, v3;
	v4 =	vand.u32 $0xFFFFFFE0, v61  }
0x6d: {  	v3 =	vor.u32 v3, v4  }
0x6e: {  	v4 =	vperm.xlane v3, v0;
	_ =	sdelay $0x1  }
0x6f: {  	v4 =	vadd.s32 v1, v4;
	_ =	sdelay $0x1  }
0x70: {  	v3 =	vperm.xlane v3, v2;
	_ =	sdelay $0x1  }
0x71: {  	v3 =	vadd.s32 v1, v3  }
0x72: {  	[tilespmem:s17], [sflag:$0x1] =	stream.indirect_vreg.gather [hbm4b:s3+s2], $0x80, v4, vm0, $0xb8;
	[tilespmem:$0x10400] =	vst v63  }
0x73: {  	_ = 	snop  }
0x74: {  	[tilespmem:s18], [sflag:$0x1] =	stream.indirect_vreg.gather [hbm4b:s5+s2], $0x80, v4, vm0, $0xb8;
	[tilespmem:$0x10400] =	vst v63  }
0x75: {  	_ = 	snop  }
0x76: {  	[tilespmem:s19], [sflag:$0x1] =	stream.indirect_vreg.gather [hbm4b:s3+s2], $0x80, v3, vm0, $0xb8;
	[tilespmem:$0x10400] =	vst v63  }
0x77: {  	_ = 	snop  }
0x78: {  	[tilespmem:s20], [sflag:$0x1] =	stream.indirect_vreg.gather [hbm4b:s5+s2], $0x80, v3, vm0, $0xb8;
	[tilespmem:$0x10400] =	vst v63  }
0x79: {  	v3 =	vld [tilespmem:s0+$0x20];
	_ =	sdelay $0x4  }
0x7a: {  	v62 =	vshll.u32 v3, $0x2  }
0x7b: {  	v3 =	vand.u32 $0x7, v3;
	v4 =	vand.u32 $0xFFFFFFE0, v62  }
0x7c: {  	v3 =	vor.u32 v3, v4  }
0x7d: {  	v4 =	vperm.xlane v3, v0;
	_ =	sdelay $0x1  }
0x7e: {  	v4 =	vadd.s32 v1, v4;
	_ =	sdelay $0x1  }
0x7f: {  	v3 =	vperm.xlane v3, v2;
	_ =	sdelay $0x1  }
0x80: {  	v3 =	vadd.s32 v1, v3  }
0x81: {  	[tilespmem:s21], [sflag:$0x1] =	stream.indirect_vreg.gather [hbm4b:s3+s2], $0x80, v4, vm0, $0xb8;
	[tilespmem:$0x10400] =	vst v63  }
0x82: {  	_ = 	snop  }
0x83: {  	[tilespmem:s22], [sflag:$0x1] =	stream.indirect_vreg.gather [hbm4b:s5+s2], $0x80, v4, vm0, $0xb8;
	[tilespmem:$0x10400] =	vst v63  }
0x84: {  	_ = 	snop  }
0x85: {  	[tilespmem:s23], [sflag:$0x1] =	stream.indirect_vreg.gather [hbm4b:s3+s2], $0x80, v3, vm0, $0xb8;
	[tilespmem:$0x10400] =	vst v63  }
0x86: {  	_ = 	snop  }
0x87: {  	[tilespmem:s24], [sflag:$0x1] =	stream.indirect_vreg.gather [hbm4b:s5+s2], $0x80, v3, vm0, $0xb8;
	[tilespmem:$0x10400] =	vst v63  }
0x88: {  	v3 =	vld [tilespmem:s0+$0x30];
	_ =	sdelay $0x4  }
0x89: {  	v63 =	vshll.u32 v3, $0x2  }
0x8a: {  	v3 =	vand.u32 $0x7, v3;
	v4 =	vand.u32 $0xFFFFFFE0, v63  }
0x8b: {  	v3 =	vor.u32 v3, v4  }
0x8c: {  	v4 =	vperm.xlane v3, v0;
	_ =	sdelay $0x1  }
0x8d: {  	v4 =	vadd.s32 v1, v4;
	_ =	sdelay $0x1  }
0x8e: {  	v3 =	vperm.xlane v3, v2;
	_ =	sdelay $0x1  }
0x8f: {  	v3 =	vadd.s32 v1, v3  }
0x90: {  	[tilespmem:s25], [sflag:$0x1] =	stream.indirect_vreg.gather [hbm4b:s3+s2], $0x80, v4, vm0, $0xb8;
	[tilespmem:$0x10400] =	vst v63  }
0x91: {  	_ = 	snop  }
0x92: {  	[tilespmem:s26], [sflag:$0x1] =	stream.indirect_vreg.gather [hbm4b:s5+s2], $0x80, v4, vm0, $0xb8;
	[tilespmem:$0x10400] =	vst v63  }
0x93: {  	_ = 	snop  }
0x94: {  	[tilespmem:s28], [sflag:$0x1] =	stream.indirect_vreg.gather [hbm4b:s3+s2], $0x80, v3, vm0, $0xb8;
	[tilespmem:$0x10400] =	vst v63  }
0x95: {  	_ = 	snop  }
0x96: {  	[tilespmem:s29], [sflag:$0x1] =	stream.indirect_vreg.gather [hbm4b:s5+s2], $0x80, v3, vm0, $0xb8;
	[tilespmem:$0x10400] =	vst v63  }
0x97: {  	_ =	swait.ge [sflag:s30], $0x10000  }
0x98: {  	p0 =	sne.s32 s1, $0xE000;
	s6 =	rddreg [dreg:$0x3];
	[sflag:s30] =	ssyncset.done $0x0  }
.Ltmp0:
0x99: {  	[sflag:s30] =	ssyncadd.s32 $0xFFFF0000;
	s4 =	sadd.s32 s1, s6;
	(pc) =	sbr.rel @p0 .LBB2_2-.Ltmp0, $4  }
0x9a: {  	[hbm4b:s4+s2] =	stream.linear.scatter [tilespmem:s8], [sflag:$0x2], $0x10000, $0x38;
	[tilespmem:$0x10400] =	vst v63  }
0x9b: {  	_ =	swait.ge [sflag:s7], $0x10000  }
0x9c: {  	[sflag:s7] =	ssyncset.done $0x0  }
0x9d: {  	s0 =	sadd.s32 $0x80, s0;
	s1 =	sadd.s32 $0x2000, s1;
	[sflag:s7] =	ssyncadd.s32 $0xFFFF0000  }
0x9e: {  	s31 =	sadd.s32 $0x1, s31;
	s0 =	rddreg [dreg:$0x10]  }
0x9f: {  	p0 =	sne.s32 s31, s0  }
.Ltmp1:
0xa0: {  	_ = 	snop;
	(pc) =	sbr.rel @p0 .LBB2_1-.Ltmp1, $1  }
0xa1: {  	_ =	sdelay $0x3  }
0xa2: {  	_ =	sfence.sel $0x180000  }
0xa3: {  	[bflag:$0x0] =	sbarrier.arrive $0xFFFF  }
0xa4: {  	_ =	strace $0x90000047  }
0xa5: {  	s0 =	stileid.u32;
	[bflag:$0x2] =	sbarrier.arrive $0xFFFF  }
0xa6: {  	p0 =	sne.s32 s0, $0x0;
	s0 =	rddreg [dreg:$0x2]  }
0xa7: {  	s0 =	sadd.s32 @!p0 $0x100000, s0  }
0xa8: {  	[sflag:s0] =	ssyncadd.tile.s32 @!p0 $0x1;
	_ =	shalt  }
.Lfunc_end2:
_tile_overlayer_lowered:
.L_overlay_start_2:
0xa9: {  	(tag) =	ssettag $0x2  }
0xaa: {  	s0 =	rddreg [dreg:$0x0];
	s2 =	stileid.u32  }
0xab: {  	s1 =	rddreg [dreg:$0x1];
	p0 =	sne.s32 s2, $0x0  }
0xac: {  	s3 =	rddreg [dreg:$0x2];
	[bflag:$0x3] =	sbarrier.arrive $0xFFFF;
	s2 =	simm.s32 @!p0 $0x1C02  }
0xad: {  	[timem:s3], [sflag:s2] =	dma.local @!p0 [hbm:s0], s1  }
0xae: {  	s0 =	simm.s32 @!p0 $0x2  }
0xaf: {  	_ =	swait.ge @!p0 [sflag:s0], s1  }
0xb0: {  	s1 =	ssub.s32 @!p0 $0x0, s1;
	[sflag:s0] =	ssyncset.done @!p0 $0x0  }
0xb1: {  	[sflag:s0] =	ssyncadd.s32 @!p0 s1  }
0xb2: {  	[bflag:$0x3] =	sbarrier.arrive $0xFFFF  }
0xb3: {  	_ =	shalt  }

</sc_bundles>
